<compile_context>
chip_gen: v7x
topology: tpu7x:2x2x1
jax: 0.10.2.dev20260603
libtpu: 0.0.44.dev20260713+nightly
codegen_flags: <defaults>
</compile_context>

<pallas_src>
import functools

import jax
import jax.numpy as jnp
from jax import lax
from jax.experimental import pallas as pl
from jax.experimental.pallas import tpu as pltpu
from jax.experimental.pallas import tpu_sc as plsc

N_NODES = 10000
N_EDGES = 320000
D = 128
N_GRAPHS = 8

NPAD = 10240
N_CORES = 2
N_SUBCORES = 16
NW = N_CORES * N_SUBCORES
CHUNK = 128
CHUNKS_PER_W = 80
EPW = CHUNK * CHUNKS_PER_W
EPAD = NW * EPW
ROWS_PER_TILE = NPAD // N_SUBCORES

BLK = 1280


NBUF = 2
S_CH = 40
N_ST = CHUNKS_PER_W // S_CH


def _sc_segment_sum(feats, edges4):
    mesh = plsc.VectorSubcoreMesh(core_axis_name="c", subcore_axis_name="s")

    @functools.partial(
        pl.kernel,
        out_type=jax.ShapeDtypeStruct((N_CORES * NPAD, D), jnp.float32),
        mesh=mesh,
        scratch_types=[
            pltpu.VMEM((2, S_CH, CHUNK), jnp.int32),
            [pltpu.VMEM((CHUNK, D), jnp.float32) for _ in range(NBUF)],
            [pltpu.SemaphoreType.DMA for _ in range(NBUF)],
            [pltpu.SemaphoreType.DMA for _ in range(NBUF)],
            pltpu.VMEM_SHARED((NPAD, D), jnp.float32),
        ],
    )
    def scatter_kernel(x_hbm, edge_hbm, out_hbm,
                       eidx, rows, sem_g, sem_s, acc_sh):
        c = lax.axis_index("c")
        s = lax.axis_index("s")
        def zrow(i, _):
            for g in range(D // 16):
                rows[0][i, pl.ds(g * 16, 16)] = jnp.zeros((16,), jnp.float32)
            return ()

        lax.fori_loop(0, CHUNK, zrow, ())
        for t in range(ROWS_PER_TILE // CHUNK):
            pltpu.sync_copy(
                rows[0],
                acc_sh.at[pl.ds(s * ROWS_PER_TILE + t * CHUNK, CHUNK)])
        plsc.subcore_barrier()

        w = c * N_SUBCORES + s
        for st in range(N_ST):
            pltpu.sync_copy(edge_hbm.at[w, :, pl.ds(st * S_CH, S_CH)], eidx)
            for b in range(NBUF):
                pltpu.async_copy(x_hbm.at[eidx.at[0, b]], rows[b], sem_g[b])

            def body(k, _):
                for b in range(NBUF):
                    j = NBUF * k + b
                    pltpu.make_async_copy(
                        x_hbm.at[eidx.at[0, j]], rows[b], sem_g[b]).wait()
                    pltpu.async_copy(
                        rows[b], acc_sh.at[eidx.at[1, j]], sem_s[b],
                        add=True).wait()

                    @pl.when(j + NBUF < S_CH)
                    def _():
                        pltpu.async_copy(
                            x_hbm.at[eidx.at[0, j + NBUF]], rows[b], sem_g[b])
                return ()

            lax.fori_loop(0, S_CH // NBUF, body, ())
        plsc.subcore_barrier()
        out_off = c * NPAD + s * ROWS_PER_TILE
        pltpu.sync_copy(acc_sh.at[pl.ds(s * ROWS_PER_TILE, ROWS_PER_TILE)],
                        out_hbm.at[pl.ds(out_off, ROWS_PER_TILE)])

    return scatter_kernel(feats, edges4)


def _dense_relu(partials, x, W_rel, W_root, b):
    grid = NPAD // BLK

    def body(p_ref, x_ref, wr_ref, wk_ref, b_ref, o_ref):
        i = pl.program_id(0)
        agg = p_ref[0] + p_ref[1]
        h = jnp.dot(agg, wr_ref[...], preferred_element_type=jnp.float32)
        h = h + b_ref[...]
        rowid = i * BLK + lax.broadcasted_iota(jnp.int32, (BLK, 1), 0)
        h = h + jnp.dot(x_ref[...], wk_ref[...],
                        preferred_element_type=jnp.float32)
        h = jnp.maximum(h, 0.0)
        h = jnp.where(rowid < N_NODES, h, 0.0)
        o_ref[...] = h

    return pl.pallas_call(
        body,
        grid=(grid,),
        in_specs=[
            pl.BlockSpec((2, BLK, D), lambda i: (0, i, 0)),
            pl.BlockSpec((BLK, D), lambda i: (i, 0)),
            pl.BlockSpec((D, D), lambda i: (0, 0)),
            pl.BlockSpec((D, D), lambda i: (0, 0)),
            pl.BlockSpec((1, D), lambda i: (0, 0)),
        ],
        out_specs=pl.BlockSpec((BLK, D), lambda i: (i, 0)),
        out_shape=jax.ShapeDtypeStruct((NPAD, D), jnp.float32),
    )(partials, x, W_rel, W_root, b)


def _dense_pool(partials, h, W_rel, W_root, b, bounds):
    grid = NPAD // BLK

    def body(bounds_ref, p_ref, h_ref, wr_ref, wk_ref, b_ref, o_ref):
        i = pl.program_id(0)
        agg = p_ref[0] + p_ref[1]
        o = jnp.dot(agg, wr_ref[...], preferred_element_type=jnp.float32)
        o = o + b_ref[...]
        o = o + jnp.dot(h_ref[...], wk_ref[...],
                        preferred_element_type=jnp.float32)
        rid = i * BLK + lax.broadcasted_iota(jnp.int32, (BLK, 1), 0)

        @pl.when(i == 0)
        def _init():
            o_ref[...] = jnp.full((N_GRAPHS, D), -jnp.inf, jnp.float32)

        neg = jnp.float32(-jnp.inf)
        maxes = [
            jnp.max(
                jnp.where((rid >= bounds_ref[g]) & (rid < bounds_ref[g + 1]),
                          o, neg),
                axis=0)
            for g in range(N_GRAPHS)
        ]
        o_ref[...] = jnp.maximum(o_ref[...], jnp.stack(maxes, axis=0))

    grid_spec = pltpu.PrefetchScalarGridSpec(
        num_scalar_prefetch=1,
        grid=(grid,),
        in_specs=[
            pl.BlockSpec((2, BLK, D), lambda i, bd: (0, i, 0)),
            pl.BlockSpec((BLK, D), lambda i, bd: (i, 0)),
            pl.BlockSpec((D, D), lambda i, bd: (0, 0)),
            pl.BlockSpec((D, D), lambda i, bd: (0, 0)),
            pl.BlockSpec((1, D), lambda i, bd: (0, 0)),
        ],
        out_specs=pl.BlockSpec((N_GRAPHS, D), lambda i, bd: (0, 0)),
    )
    return pl.pallas_call(
        body,
        grid_spec=grid_spec,
        out_shape=jax.ShapeDtypeStruct((N_GRAPHS, D), jnp.float32),
    )(bounds, partials, h, W_rel, W_root, b)


def kernel(x, edge_index, batch, W_rel1, W_root1, b1, W_rel2, W_root2, b2):
    x = x.astype(jnp.float32)
    src = edge_index[0].astype(jnp.int32)
    dst = edge_index[1].astype(jnp.int32)
    batch = batch.astype(jnp.int32)

    pad_i = jnp.arange(EPAD - N_EDGES, dtype=jnp.int32)
    src_pad = (jnp.concatenate([src, pad_i % N_NODES])
               .reshape(NW, 1, CHUNKS_PER_W, CHUNK))
    dst_pad = (jnp.concatenate([dst, N_NODES + pad_i % (NPAD - N_NODES)])
               .reshape(NW, 1, CHUNKS_PER_W, CHUNK))
    edges4 = jnp.concatenate([src_pad, dst_pad], axis=1)
    bounds = jnp.searchsorted(
        batch, jnp.arange(N_GRAPHS + 1, dtype=jnp.int32)).astype(jnp.int32)
    b1r = b1.reshape(1, D)
    b2r = b2.reshape(1, D)

    p1 = _sc_segment_sum(x, edges4)
    p1 = p1.reshape(N_CORES, NPAD, D)
    h = _dense_relu(p1, x, W_rel1, W_root1, b1r)

    p2 = _sc_segment_sum(h, edges4)
    p2 = p2.reshape(N_CORES, NPAD, D)
    pooled = _dense_pool(p2, h, W_rel2, W_root2, b2r, bounds)
    return pooled

# --- scband reference (transcript-rebuilt; emitter-appended) ---
"""Pipeline reference for scband-graph-convolutional-network-31009663877670 (READ-ONLY COPY).

The authoritative reference and input builder live on the scoring server;
editing this copy changes nothing except your own understanding.
"""

import jax, jax.numpy as jnp
import numpy as np

N_NODES = 10000
N_EDGES = 320000
D = 128
N_GRAPHS = 8


def setup_inputs(seed: int = 0) -> dict:
    key = jax.random.key(seed)
    ks = jax.random.split(key, 10)
    x = jax.random.normal(ks[0], (N_NODES, D), dtype=jnp.float32)
    edge_index = jax.random.randint(ks[1], (2, N_EDGES), 0, N_NODES, dtype=jnp.int64)
    batch = jnp.sort(jax.random.randint(ks[2], (N_NODES,), 0, N_GRAPHS, dtype=jnp.int64))
    s = 1.0 / np.sqrt(D)
    W_rel1 = jax.random.normal(ks[3], (D, D), dtype=jnp.float32) * s
    W_root1 = jax.random.normal(ks[4], (D, D), dtype=jnp.float32) * s
    b1 = jax.random.normal(ks[5], (D,), dtype=jnp.float32) * s
    W_rel2 = jax.random.normal(ks[6], (D, D), dtype=jnp.float32) * s
    W_root2 = jax.random.normal(ks[7], (D, D), dtype=jnp.float32) * s
    b2 = jax.random.normal(ks[8], (D,), dtype=jnp.float32) * s
    return {"x": x, "edge_index": edge_index, "batch": batch,
            "W_rel1": W_rel1, "W_root1": W_root1, "b1": b1,
            "W_rel2": W_rel2, "W_root2": W_root2, "b2": b2}


def _graph_conv(x, src, dst, n_nodes, W_rel, W_root, b):
    # PyG GraphConv: out = lin_rel(sum_{j in N(i)} x_j) + lin_root(x_i)
    agg = jax.ops.segment_sum(x[src], dst, num_segments=n_nodes)
    return agg @ W_rel + b + x @ W_root


def reference(x, edge_index, batch, W_rel1, W_root1, b1, W_rel2, W_root2, b2):
    x = x.astype(jnp.float32)
    src = edge_index[0]
    dst = edge_index[1]
    n_nodes = x.shape[0]
    # layer 1 + ReLU (dropout p=0.0 -> identity)
    h = _graph_conv(x, src, dst, n_nodes, W_rel1, W_root1, b1)
    h = jax.nn.relu(h)
    # layer 2 (no activation)
    out = _graph_conv(h, src, dst, n_nodes, W_rel2, W_root2, b2)
    # global max pool over graphs in batch
    pooled = jax.ops.segment_max(out, batch, num_segments=N_GRAPHS)
    return pooled

if __name__ == "__main__":
    import jax
    _d = setup_inputs()
    print(jax.jit(kernel)(*tuple(_d.values())))

</pallas_src>

<mosaic_0001>
#map = affine_map<(d0, d1) -> (0, 0)>
#map1 = affine_map<(d0, d1) -> (0, 0, 0, 0)>
module attributes {stable_mosaic.version = 14 : i64} {
  func.func @scatter_kernel(%arg0: i32, %arg1: i32, %arg2: memref<10000x128xf32, #tpu.memory_space<hbm>>, %arg3: memref<32x2x80x128xi32, #tpu.memory_space<hbm>>, %arg4: memref<20480x128xf32, #tpu.memory_space<hbm>>, %arg5: memref<2x40x128xi32, #tpu.memory_space<vmem>>, %arg6: memref<128x128xf32, #tpu.memory_space<vmem>>, %arg7: memref<128x128xf32, #tpu.memory_space<vmem>>, %arg8: memref<!tpu.dma_semaphore, #tpu.memory_space<semaphore_mem>>, %arg9: memref<!tpu.dma_semaphore, #tpu.memory_space<semaphore_mem>>, %arg10: memref<!tpu.dma_semaphore, #tpu.memory_space<semaphore_mem>>, %arg11: memref<!tpu.dma_semaphore, #tpu.memory_space<semaphore_mem>>, %arg12: memref<10240x128xf32, #tpu.memory_space<vmem_shared>>) attributes {dimension_semantics = [#tpu.dimension_semantics<core_parallel>, #tpu.dimension_semantics<subcore_parallel>], iteration_bounds = array<i64: 2, 16>, scalar_prefetch = 0 : i64, scratch_operands = 8 : i64, tpu.core_type = #tpu.core_type<sc_vector_subcore>, window_params = [{transform_indices = #map}, {transform_indices = #map1}, {transform_indices = #map}]} {
    %scan3A = arith.constant 0 : i32
    %scan3A_0 = arith.constant 128 : i32
    %scan3A_1 = arith.addi %scan3A, %scan3A_0 : i32
    %scan3A_2 = arith.constant 1 : i32
    scf.for %scan3A_74 = %scan3A to %scan3A_1 step %scan3A_2  : i32 {
      %broadcast_in_dim3A = arith.constant 0.000000e+00 : f32
      %broadcast_in_dim3A_75 = vector.broadcast %broadcast_in_dim3A : f32 to vector<16xf32>
      %swap3A = arith.index_cast %scan3A_74 : i32 to index
      %swap3A_76 = arith.constant 0 : index
      %swap3A_77 = tpu.vector_load %arg6[%swap3A, %swap3A_76] {strides = array<i32>} : memref<128x128xf32, #tpu.memory_space<vmem>>, vector<1x16xf32>,
      %swap3A_78 = vector.shape_cast %swap3A_77 : vector<1x16xf32> to vector<16xf32>
      %swap3A_79 = vector.shape_cast %broadcast_in_dim3A_75 : vector<16xf32> to vector<1x16xf32>
      tpu.vector_store %arg6[%swap3A, %swap3A_76], %swap3A_79 {strides = array<i32>} : memref<128x128xf32, #tpu.memory_space<vmem>>, vector<1x16xf32>,
      %broadcast_in_dim3A_80 = arith.constant 0.000000e+00 : f32
      %broadcast_in_dim3A_81 = vector.broadcast %broadcast_in_dim3A_80 : f32 to vector<16xf32>
      %swap3A_82 = arith.index_cast %scan3A_74 : i32 to index
      %swap3A_83 = arith.constant 16 : index
      %swap3A_84 = tpu.vector_load %arg6[%swap3A_82, %swap3A_83] {strides = array<i32>} : memref<128x128xf32, #tpu.memory_space<vmem>>, vector<1x16xf32>,
      %swap3A_85 = vector.shape_cast %swap3A_84 : vector<1x16xf32> to vector<16xf32>
      %swap3A_86 = vector.shape_cast %broadcast_in_dim3A_81 : vector<16xf32> to vector<1x16xf32>
      tpu.vector_store %arg6[%swap3A_82, %swap3A_83], %swap3A_86 {strides = array<i32>} : memref<128x128xf32, #tpu.memory_space<vmem>>, vector<1x16xf32>,
      %broadcast_in_dim3A_87 = arith.constant 0.000000e+00 : f32
      %broadcast_in_dim3A_88 = vector.broadcast %broadcast_in_dim3A_87 : f32 to vector<16xf32>
      %swap3A_89 = arith.index_cast %scan3A_74 : i32 to index
      %swap3A_90 = arith.constant 32 : index
      %swap3A_91 = tpu.vector_load %arg6[%swap3A_89, %swap3A_90] {strides = array<i32>} : memref<128x128xf32, #tpu.memory_space<vmem>>, vector<1x16xf32>,
      %swap3A_92 = vector.shape_cast %swap3A_91 : vector<1x16xf32> to vector<16xf32>
      %swap3A_93 = vector.shape_cast %broadcast_in_dim3A_88 : vector<16xf32> to vector<1x16xf32>
      tpu.vector_store %arg6[%swap3A_89, %swap3A_90], %swap3A_93 {strides = array<i32>} : memref<128x128xf32, #tpu.memory_space<vmem>>, vector<1x16xf32>,
      %broadcast_in_dim3A_94 = arith.constant 0.000000e+00 : f32
      %broadcast_in_dim3A_95 = vector.broadcast %broadcast_in_dim3A_94 : f32 to vector<16xf32>
      %swap3A_96 = arith.index_cast %scan3A_74 : i32 to index
      %swap3A_97 = arith.constant 48 : index
      %swap3A_98 = tpu.vector_load %arg6[%swap3A_96, %swap3A_97] {strides = array<i32>} : memref<128x128xf32, #tpu.memory_space<vmem>>, vector<1x16xf32>,
      %swap3A_99 = vector.shape_cast %swap3A_98 : vector<1x16xf32> to vector<16xf32>
      %swap3A_100 = vector.shape_cast %broadcast_in_dim3A_95 : vector<16xf32> to vector<1x16xf32>
      tpu.vector_store %arg6[%swap3A_96, %swap3A_97], %swap3A_100 {strides = array<i32>} : memref<128x128xf32, #tpu.memory_space<vmem>>, vector<1x16xf32>,
      %broadcast_in_dim3A_101 = arith.constant 0.000000e+00 : f32
      %broadcast_in_dim3A_102 = vector.broadcast %broadcast_in_dim3A_101 : f32 to vector<16xf32>
      %swap3A_103 = arith.index_cast %scan3A_74 : i32 to index
      %swap3A_104 = arith.constant 64 : index
      %swap3A_105 = tpu.vector_load %arg6[%swap3A_103, %swap3A_104] {strides = array<i32>} : memref<128x128xf32, #tpu.memory_space<vmem>>, vector<1x16xf32>,
      %swap3A_106 = vector.shape_cast %swap3A_105 : vector<1x16xf32> to vector<16xf32>
      %swap3A_107 = vector.shape_cast %broadcast_in_dim3A_102 : vector<16xf32> to vector<1x16xf32>
      tpu.vector_store %arg6[%swap3A_103, %swap3A_104], %swap3A_107 {strides = array<i32>} : memref<128x128xf32, #tpu.memory_space<vmem>>, vector<1x16xf32>,
      %broadcast_in_dim3A_108 = arith.constant 0.000000e+00 : f32
      %broadcast_in_dim3A_109 = vector.broadcast %broadcast_in_dim3A_108 : f32 to vector<16xf32>
      %swap3A_110 = arith.index_cast %scan3A_74 : i32 to index
      %swap3A_111 = arith.constant 80 : index
      %swap3A_112 = tpu.vector_load %arg6[%swap3A_110, %swap3A_111] {strides = array<i32>} : memref<128x128xf32, #tpu.memory_space<vmem>>, vector<1x16xf32>,
      %swap3A_113 = vector.shape_cast %swap3A_112 : vector<1x16xf32> to vector<16xf32>
      %swap3A_114 = vector.shape_cast %broadcast_in_dim3A_109 : vector<16xf32> to vector<1x16xf32>
      tpu.vector_store %arg6[%swap3A_110, %swap3A_111], %swap3A_114 {strides = array<i32>} : memref<128x128xf32, #tpu.memory_space<vmem>>, vector<1x16xf32>,
      %broadcast_in_dim3A_115 = arith.constant 0.000000e+00 : f32
      %broadcast_in_dim3A_116 = vector.broadcast %broadcast_in_dim3A_115 : f32 to vector<16xf32>
      %swap3A_117 = arith.index_cast %scan3A_74 : i32 to index
      %swap3A_118 = arith.constant 96 : index
      %swap3A_119 = tpu.vector_load %arg6[%swap3A_117, %swap3A_118] {strides = array<i32>} : memref<128x128xf32, #tpu.memory_space<vmem>>, vector<1x16xf32>,
      %swap3A_120 = vector.shape_cast %swap3A_119 : vector<1x16xf32> to vector<16xf32>
      %swap3A_121 = vector.shape_cast %broadcast_in_dim3A_116 : vector<16xf32> to vector<1x16xf32>
      tpu.vector_store %arg6[%swap3A_117, %swap3A_118], %swap3A_121 {strides = array<i32>} : memref<128x128xf32, #tpu.memory_space<vmem>>, vector<1x16xf32>,
      %broadcast_in_dim3A_122 = arith.constant 0.000000e+00 : f32
      %broadcast_in_dim3A_123 = vector.broadcast %broadcast_in_dim3A_122 : f32 to vector<16xf32>
      %swap3A_124 = arith.index_cast %scan3A_74 : i32 to index
      %swap3A_125 = arith.constant 112 : index
      %swap3A_126 = tpu.vector_load %arg6[%swap3A_124, %swap3A_125] {strides = array<i32>} : memref<128x128xf32, #tpu.memory_space<vmem>>, vector<1x16xf32>,
      %swap3A_127 = vector.shape_cast %swap3A_126 : vector<1x16xf32> to vector<16xf32>
      %swap3A_128 = vector.shape_cast %broadcast_in_dim3A_123 : vector<16xf32> to vector<1x16xf32>
      tpu.vector_store %arg6[%swap3A_124, %swap3A_125], %swap3A_128 {strides = array<i32>} : memref<128x128xf32, #tpu.memory_space<vmem>>, vector<1x16xf32>,
    }
    %scan3A_3 = arith.constant 128 : i32
    %mul3A = arith.constant 640 : i32
    %mul3A_4 = arith.muli %arg1, %mul3A : i32
    %add3A = arith.constant 0 : i32
    %add3A_5 = arith.addi %mul3A_4, %add3A : i32
    "tpu.region"() ({
      %run_scoped3A = tpu.sem_alloc : memref<!tpu.dma_semaphore, #tpu.memory_space<semaphore_mem>>
      %dma_start3A_74 = arith.constant 0 : i32
      %dma_start3A_75 = tpu.memref_slice %arg12[%add3A_5, %dma_start3A_74] : memref<10240x128xf32, #tpu.memory_space<vmem_shared>> -> memref<128x128xf32, #tpu.memory_space<vmem_shared>>
      %dma_start3A_76 = arith.constant 0 : i32
      %dma_start3A_77 = tpu.memref_slice %arg12[%add3A_5, %dma_start3A_76] : memref<10240x128xf32, #tpu.memory_space<vmem_shared>> -> memref<128x128xf32, #tpu.memory_space<vmem_shared>>
      tpu.enqueue_dma source(%arg6 : memref<128x128xf32, #tpu.memory_space<vmem>>) target(%dma_start3A_77 : memref<128x128xf32, #tpu.memory_space<vmem_shared>>) target_semaphore(%run_scoped3A : memref<!tpu.dma_semaphore, #tpu.memory_space<semaphore_mem>>)
      %dma_wait3A = arith.constant 0 : i32
      %dma_wait3A_78 = tpu.memref_slice %arg12[%add3A_5, %dma_wait3A] : memref<10240x128xf32, #tpu.memory_space<vmem_shared>> -> memref<128x128xf32, #tpu.memory_space<vmem_shared>>
      %dma_wait3A_79 = arith.constant 0 : i32
      %dma_wait3A_80 = tpu.memref_slice %arg12[%add3A_5, %dma_wait3A_79] : memref<10240x128xf32, #tpu.memory_space<vmem_shared>> -> memref<128x128xf32, #tpu.memory_space<vmem_shared>>
      tpu.wait_dma2 semaphore(%run_scoped3A : memref<!tpu.dma_semaphore, #tpu.memory_space<semaphore_mem>>) src(%arg6 : memref<128x128xf32, #tpu.memory_space<vmem>>) dst(%dma_wait3A_80 : memref<128x128xf32, #tpu.memory_space<vmem_shared>>)
      tpu.yield
    }) : () -> ()
    %mul3A_6 = arith.constant 640 : i32
    %mul3A_7 = arith.muli %arg1, %mul3A_6 : i32
    %add3A_8 = arith.constant 128 : i32
    %add3A_9 = arith.addi %mul3A_7, %add3A_8 : i32
    "tpu.region"() ({
      %run_scoped3A = tpu.sem_alloc : memref<!tpu.dma_semaphore, #tpu.memory_space<semaphore_mem>>
      %dma_start3A_74 = arith.constant 0 : i32
      %dma_start3A_75 = tpu.memref_slice %arg12[%add3A_9, %dma_start3A_74] : memref<10240x128xf32, #tpu.memory_space<vmem_shared>> -> memref<128x128xf32, #tpu.memory_space<vmem_shared>>
      %dma_start3A_76 = arith.constant 0 : i32
      %dma_start3A_77 = tpu.memref_slice %arg12[%add3A_9, %dma_start3A_76] : memref<10240x128xf32, #tpu.memory_space<vmem_shared>> -> memref<128x128xf32, #tpu.memory_space<vmem_shared>>
      tpu.enqueue_dma source(%arg6 : memref<128x128xf32, #tpu.memory_space<vmem>>) target(%dma_start3A_77 : memref<128x128xf32, #tpu.memory_space<vmem_shared>>) target_semaphore(%run_scoped3A : memref<!tpu.dma_semaphore, #tpu.memory_space<semaphore_mem>>)
      %dma_wait3A = arith.constant 0 : i32
      %dma_wait3A_78 = tpu.memref_slice %arg12[%add3A_9, %dma_wait3A] : memref<10240x128xf32, #tpu.memory_space<vmem_shared>> -> memref<128x128xf32, #tpu.memory_space<vmem_shared>>
      %dma_wait3A_79 = arith.constant 0 : i32
      %dma_wait3A_80 = tpu.memref_slice %arg12[%add3A_9, %dma_wait3A_79] : memref<10240x128xf32, #tpu.memory_space<vmem_shared>> -> memref<128x128xf32, #tpu.memory_space<vmem_shared>>
      tpu.wait_dma2 semaphore(%run_scoped3A : memref<!tpu.dma_semaphore, #tpu.memory_space<semaphore_mem>>) src(%arg6 : memref<128x128xf32, #tpu.memory_space<vmem>>) dst(%dma_wait3A_80 : memref<128x128xf32, #tpu.memory_space<vmem_shared>>)
      tpu.yield
    }) : () -> ()
    %mul3A_10 = arith.constant 640 : i32
    %mul3A_11 = arith.muli %arg1, %mul3A_10 : i32
    %add3A_12 = arith.constant 256 : i32
    %add3A_13 = arith.addi %mul3A_11, %add3A_12 : i32
    "tpu.region"() ({
      %run_scoped3A = tpu.sem_alloc : memref<!tpu.dma_semaphore, #tpu.memory_space<semaphore_mem>>
      %dma_start3A_74 = arith.constant 0 : i32
      %dma_start3A_75 = tpu.memref_slice %arg12[%add3A_13, %dma_start3A_74] : memref<10240x128xf32, #tpu.memory_space<vmem_shared>> -> memref<128x128xf32, #tpu.memory_space<vmem_shared>>
      %dma_start3A_76 = arith.constant 0 : i32
      %dma_start3A_77 = tpu.memref_slice %arg12[%add3A_13, %dma_start3A_76] : memref<10240x128xf32, #tpu.memory_space<vmem_shared>> -> memref<128x128xf32, #tpu.memory_space<vmem_shared>>
      tpu.enqueue_dma source(%arg6 : memref<128x128xf32, #tpu.memory_space<vmem>>) target(%dma_start3A_77 : memref<128x128xf32, #tpu.memory_space<vmem_shared>>) target_semaphore(%run_scoped3A : memref<!tpu.dma_semaphore, #tpu.memory_space<semaphore_mem>>)
      %dma_wait3A = arith.constant 0 : i32
      %dma_wait3A_78 = tpu.memref_slice %arg12[%add3A_13, %dma_wait3A] : memref<10240x128xf32, #tpu.memory_space<vmem_shared>> -> memref<128x128xf32, #tpu.memory_space<vmem_shared>>
      %dma_wait3A_79 = arith.constant 0 : i32
      %dma_wait3A_80 = tpu.memref_slice %arg12[%add3A_13, %dma_wait3A_79] : memref<10240x128xf32, #tpu.memory_space<vmem_shared>> -> memref<128x128xf32, #tpu.memory_space<vmem_shared>>
      tpu.wait_dma2 semaphore(%run_scoped3A : memref<!tpu.dma_semaphore, #tpu.memory_space<semaphore_mem>>) src(%arg6 : memref<128x128xf32, #tpu.memory_space<vmem>>) dst(%dma_wait3A_80 : memref<128x128xf32, #tpu.memory_space<vmem_shared>>)
      tpu.yield
    }) : () -> ()
    %mul3A_14 = arith.constant 640 : i32
    %mul3A_15 = arith.muli %arg1, %mul3A_14 : i32
    %add3A_16 = arith.constant 384 : i32
    %add3A_17 = arith.addi %mul3A_15, %add3A_16 : i32
    "tpu.region"() ({
      %run_scoped3A = tpu.sem_alloc : memref<!tpu.dma_semaphore, #tpu.memory_space<semaphore_mem>>
      %dma_start3A_74 = arith.constant 0 : i32
      %dma_start3A_75 = tpu.memref_slice %arg12[%add3A_17, %dma_start3A_74] : memref<10240x128xf32, #tpu.memory_space<vmem_shared>> -> memref<128x128xf32, #tpu.memory_space<vmem_shared>>
      %dma_start3A_76 = arith.constant 0 : i32
      %dma_start3A_77 = tpu.memref_slice %arg12[%add3A_17, %dma_start3A_76] : memref<10240x128xf32, #tpu.memory_space<vmem_shared>> -> memref<128x128xf32, #tpu.memory_space<vmem_shared>>
      tpu.enqueue_dma source(%arg6 : memref<128x128xf32, #tpu.memory_space<vmem>>) target(%dma_start3A_77 : memref<128x128xf32, #tpu.memory_space<vmem_shared>>) target_semaphore(%run_scoped3A : memref<!tpu.dma_semaphore, #tpu.memory_space<semaphore_mem>>)
      %dma_wait3A = arith.constant 0 : i32
      %dma_wait3A_78 = tpu.memref_slice %arg12[%add3A_17, %dma_wait3A] : memref<10240x128xf32, #tpu.memory_space<vmem_shared>> -> memref<128x128xf32, #tpu.memory_space<vmem_shared>>
      %dma_wait3A_79 = arith.constant 0 : i32
      %dma_wait3A_80 = tpu.memref_slice %arg12[%add3A_17, %dma_wait3A_79] : memref<10240x128xf32, #tpu.memory_space<vmem_shared>> -> memref<128x128xf32, #tpu.memory_space<vmem_shared>>
      tpu.wait_dma2 semaphore(%run_scoped3A : memref<!tpu.dma_semaphore, #tpu.memory_space<semaphore_mem>>) src(%arg6 : memref<128x128xf32, #tpu.memory_space<vmem>>) dst(%dma_wait3A_80 : memref<128x128xf32, #tpu.memory_space<vmem_shared>>)
      tpu.yield
    }) : () -> ()
    %mul3A_18 = arith.constant 640 : i32
    %mul3A_19 = arith.muli %arg1, %mul3A_18 : i32
    %add3A_20 = arith.constant 512 : i32
    %add3A_21 = arith.addi %mul3A_19, %add3A_20 : i32
    "tpu.region"() ({
      %run_scoped3A = tpu.sem_alloc : memref<!tpu.dma_semaphore, #tpu.memory_space<semaphore_mem>>
      %dma_start3A_74 = arith.constant 0 : i32
      %dma_start3A_75 = tpu.memref_slice %arg12[%add3A_21, %dma_start3A_74] : memref<10240x128xf32, #tpu.memory_space<vmem_shared>> -> memref<128x128xf32, #tpu.memory_space<vmem_shared>>
      %dma_start3A_76 = arith.constant 0 : i32
      %dma_start3A_77 = tpu.memref_slice %arg12[%add3A_21, %dma_start3A_76] : memref<10240x128xf32, #tpu.memory_space<vmem_shared>> -> memref<128x128xf32, #tpu.memory_space<vmem_shared>>
      tpu.enqueue_dma source(%arg6 : memref<128x128xf32, #tpu.memory_space<vmem>>) target(%dma_start3A_77 : memref<128x128xf32, #tpu.memory_space<vmem_shared>>) target_semaphore(%run_scoped3A : memref<!tpu.dma_semaphore, #tpu.memory_space<semaphore_mem>>)
      %dma_wait3A = arith.constant 0 : i32
      %dma_wait3A_78 = tpu.memref_slice %arg12[%add3A_21, %dma_wait3A] : memref<10240x128xf32, #tpu.memory_space<vmem_shared>> -> memref<128x128xf32, #tpu.memory_space<vmem_shared>>
      %dma_wait3A_79 = arith.constant 0 : i32
      %dma_wait3A_80 = tpu.memref_slice %arg12[%add3A_21, %dma_wait3A_79] : memref<10240x128xf32, #tpu.memory_space<vmem_shared>> -> memref<128x128xf32, #tpu.memory_space<vmem_shared>>
      tpu.wait_dma2 semaphore(%run_scoped3A : memref<!tpu.dma_semaphore, #tpu.memory_space<semaphore_mem>>) src(%arg6 : memref<128x128xf32, #tpu.memory_space<vmem>>) dst(%dma_wait3A_80 : memref<128x128xf32, #tpu.memory_space<vmem_shared>>)
      tpu.yield
    }) : () -> ()
    %barrier3A = arith.constant 0 : index
    tpu.barrier barrier_id(%barrier3A)
    %mul3A_22 = arith.constant 16 : i32
    %mul3A_23 = arith.muli %arg0, %mul3A_22 : i32
    %add3A_24 = arith.addi %mul3A_23, %arg1 : i32
    "tpu.region"() ({
      %run_scoped3A = tpu.sem_alloc : memref<!tpu.dma_semaphore, #tpu.memory_space<semaphore_mem>>
      %dma_start3A_74 = arith.constant 0 : i32
      %dma_start3A_75 = arith.constant 0 : i32
      %dma_start3A_76 = arith.constant 0 : i32
      %dma_start3A_77 = tpu.memref_slice %arg3[%add3A_24, %dma_start3A_74, %dma_start3A_75, %dma_start3A_76] : memref<32x2x80x128xi32, #tpu.memory_space<hbm>> -> memref<1x2x40x128xi32, #tpu.memory_space<hbm>>
      %dma_start3A_78 = tpu.memref_squeeze %dma_start3A_77 : memref<1x2x40x128xi32, #tpu.memory_space<hbm>> -> memref<2x40x128xi32, #tpu.memory_space<hbm>>
      %dma_start3A_79 = arith.constant 0 : i32
      %dma_start3A_80 = arith.constant 0 : i32
      %dma_start3A_81 = arith.constant 0 : i32
      %dma_start3A_82 = tpu.memref_slice %arg3[%add3A_24, %dma_start3A_79, %dma_start3A_80, %dma_start3A_81] : memref<32x2x80x128xi32, #tpu.memory_space<hbm>> -> memref<1x2x40x128xi32, #tpu.memory_space<hbm>>
      %dma_start3A_83 = tpu.memref_squeeze %dma_start3A_82 : memref<1x2x40x128xi32, #tpu.memory_space<hbm>> -> memref<2x40x128xi32, #tpu.memory_space<hbm>>
      tpu.enqueue_dma source(%dma_start3A_83 : memref<2x40x128xi32, #tpu.memory_space<hbm>>) target(%arg5 : memref<2x40x128xi32, #tpu.memory_space<vmem>>) target_semaphore(%run_scoped3A : memref<!tpu.dma_semaphore, #tpu.memory_space<semaphore_mem>>)
      %dma_wait3A = arith.constant 0 : i32
      %dma_wait3A_84 = arith.constant 0 : i32
      %dma_wait3A_85 = arith.constant 0 : i32
      %dma_wait3A_86 = tpu.memref_slice %arg3[%add3A_24, %dma_wait3A, %dma_wait3A_84, %dma_wait3A_85] : memref<32x2x80x128xi32, #tpu.memory_space<hbm>> -> memref<1x2x40x128xi32, #tpu.memory_space<hbm>>
      %dma_wait3A_87 = tpu.memref_squeeze %dma_wait3A_86 : memref<1x2x40x128xi32, #tpu.memory_space<hbm>> -> memref<2x40x128xi32, #tpu.memory_space<hbm>>
      %dma_wait3A_88 = arith.constant 0 : i32
      %dma_wait3A_89 = arith.constant 0 : i32
      %dma_wait3A_90 = arith.constant 0 : i32
      %dma_wait3A_91 = tpu.memref_slice %arg3[%add3A_24, %dma_wait3A_88, %dma_wait3A_89, %dma_wait3A_90] : memref<32x2x80x128xi32, #tpu.memory_space<hbm>> -> memref<1x2x40x128xi32, #tpu.memory_space<hbm>>
      %dma_wait3A_92 = tpu.memref_squeeze %dma_wait3A_91 : memref<1x2x40x128xi32, #tpu.memory_space<hbm>> -> memref<2x40x128xi32, #tpu.memory_space<hbm>>
      tpu.wait_dma2 semaphore(%run_scoped3A : memref<!tpu.dma_semaphore, #tpu.memory_space<semaphore_mem>>) src(%dma_wait3A_92 : memref<2x40x128xi32, #tpu.memory_space<hbm>>) dst(%arg5 : memref<2x40x128xi32, #tpu.memory_space<vmem>>)
      tpu.yield
    }) : () -> ()
    %dma_start3A = arith.constant 0 : i32
    %dma_start3A_25 = arith.constant 0 : i32
    %dma_start3A_26 = arith.constant 0 : i32
    %dma_start3A_27 = tpu.memref_slice %arg5[%dma_start3A, %dma_start3A_25, %dma_start3A_26] : memref<2x40x128xi32, #tpu.memory_space<vmem>> -> memref<1x1x128xi32, #tpu.memory_space<vmem>>
    %dma_start3A_28 = tpu.memref_squeeze %dma_start3A_27 : memref<1x1x128xi32, #tpu.memory_space<vmem>> -> memref<128xi32, #tpu.memory_space<vmem>>
    %dma_start3A_29 = arith.constant 0 : i32
    %dma_start3A_30 = arith.constant 0 : i32
    %dma_start3A_31 = tpu.memref_slice %arg2[%dma_start3A_29, %dma_start3A_30] : memref<10000x128xf32, #tpu.memory_space<hbm>> -> memref<10000x128xf32, #tpu.memory_space<hbm>>
    tpu.enqueue_indirect_dma source(%dma_start3A_31 : memref<10000x128xf32, #tpu.memory_space<hbm>>) target(%arg6 : memref<128x128xf32, #tpu.memory_space<vmem>>) offsets(%dma_start3A_28 : memref<128xi32, #tpu.memory_space<vmem>>) semaphore(%arg8 : memref<!tpu.dma_semaphore, #tpu.memory_space<semaphore_mem>>)
    %dma_start3A_32 = arith.constant 0 : i32
    %dma_start3A_33 = arith.constant 1 : i32
    %dma_start3A_34 = arith.constant 0 : i32
    %dma_start3A_35 = tpu.memref_slice %arg5[%dma_start3A_32, %dma_start3A_33, %dma_start3A_34] : memref<2x40x128xi32, #tpu.memory_space<vmem>> -> memref<1x1x128xi32, #tpu.memory_space<vmem>>
    %dma_start3A_36 = tpu.memref_squeeze %dma_start3A_35 : memref<1x1x128xi32, #tpu.memory_space<vmem>> -> memref<128xi32, #tpu.memory_space<vmem>>
    %dma_start3A_37 = arith.constant 0 : i32
    %dma_start3A_38 = arith.constant 0 : i32
    %dma_start3A_39 = tpu.memref_slice %arg2[%dma_start3A_37, %dma_start3A_38] : memref<10000x128xf32, #tpu.memory_space<hbm>> -> memref<10000x128xf32, #tpu.memory_space<hbm>>
    tpu.enqueue_indirect_dma source(%dma_start3A_39 : memref<10000x128xf32, #tpu.memory_space<hbm>>) target(%arg7 : memref<128x128xf32, #tpu.memory_space<vmem>>) offsets(%dma_start3A_36 : memref<128xi32, #tpu.memory_space<vmem>>) semaphore(%arg9 : memref<!tpu.dma_semaphore, #tpu.memory_space<semaphore_mem>>)
    %scan3A_40 = arith.constant 0 : i32
    %scan3A_41 = arith.constant 20 : i32
    %scan3A_42 = arith.addi %scan3A_40, %scan3A_41 : i32
    %scan3A_43 = arith.constant 1 : i32
    scf.for %scan3A_74 = %scan3A_40 to %scan3A_42 step %scan3A_43  : i32 {
      %mul3A_75 = arith.constant 2 : i32
      %mul3A_76 = arith.muli %mul3A_75, %scan3A_74 : i32
      %add3A_77 = arith.constant 0 : i32
      %add3A_78 = arith.addi %mul3A_76, %add3A_77 : i32
      %dma_wait3A = arith.constant 0 : i32
      %dma_wait3A_79 = arith.constant 0 : i32
      %dma_wait3A_80 = tpu.memref_slice %arg5[%dma_wait3A, %add3A_78, %dma_wait3A_79] : memref<2x40x128xi32, #tpu.memory_space<vmem>> -> memref<1x1x128xi32, #tpu.memory_space<vmem>>
      %dma_wait3A_81 = tpu.memref_squeeze %dma_wait3A_80 : memref<1x1x128xi32, #tpu.memory_space<vmem>> -> memref<128xi32, #tpu.memory_space<vmem>>
      %dma_wait3A_82 = arith.constant 0 : i32
      %dma_wait3A_83 = arith.constant 0 : i32
      %dma_wait3A_84 = tpu.memref_slice %arg2[%dma_wait3A_82, %dma_wait3A_83] : memref<10000x128xf32, #tpu.memory_space<hbm>> -> memref<10000x128xf32, #tpu.memory_space<hbm>>
      tpu.wait_indirect_dma semaphore(%arg8 : memref<!tpu.dma_semaphore, #tpu.memory_space<semaphore_mem>>) src(%dma_wait3A_84 : memref<10000x128xf32, #tpu.memory_space<hbm>>) dst(%arg6 : memref<128x128xf32, #tpu.memory_space<vmem>>)
      %dma_start3A_85 = arith.constant 1 : i32
      %dma_start3A_86 = arith.constant 0 : i32
      %dma_start3A_87 = tpu.memref_slice %arg5[%dma_start3A_85, %add3A_78, %dma_start3A_86] : memref<2x40x128xi32, #tpu.memory_space<vmem>> -> memref<1x1x128xi32, #tpu.memory_space<vmem>>
      %dma_start3A_88 = tpu.memref_squeeze %dma_start3A_87 : memref<1x1x128xi32, #tpu.memory_space<vmem>> -> memref<128xi32, #tpu.memory_space<vmem>>
      %dma_start3A_89 = arith.constant 0 : i32
      %dma_start3A_90 = arith.constant 0 : i32
      %dma_start3A_91 = tpu.memref_slice %arg12[%dma_start3A_89, %dma_start3A_90] : memref<10240x128xf32, #tpu.memory_space<vmem_shared>> -> memref<10240x128xf32, #tpu.memory_space<vmem_shared>>
      tpu.enqueue_indirect_dma source(%arg6 : memref<128x128xf32, #tpu.memory_space<vmem>>) target(%dma_start3A_91 : memref<10240x128xf32, #tpu.memory_space<vmem_shared>>) offsets(%dma_start3A_88 : memref<128xi32, #tpu.memory_space<vmem>>) semaphore(%arg10 : memref<!tpu.dma_semaphore, #tpu.memory_space<semaphore_mem>>) {add = true}
      %dma_wait3A_92 = arith.constant 1 : i32
      %dma_wait3A_93 = arith.constant 0 : i32
      %dma_wait3A_94 = tpu.memref_slice %arg5[%dma_wait3A_92, %add3A_78, %dma_wait3A_93] : memref<2x40x128xi32, #tpu.memory_space<vmem>> -> memref<1x1x128xi32, #tpu.memory_space<vmem>>
      %dma_wait3A_95 = tpu.memref_squeeze %dma_wait3A_94 : memref<1x1x128xi32, #tpu.memory_space<vmem>> -> memref<128xi32, #tpu.memory_space<vmem>>
      %dma_wait3A_96 = arith.constant 0 : i32
      %dma_wait3A_97 = arith.constant 0 : i32
      %dma_wait3A_98 = tpu.memref_slice %arg12[%dma_wait3A_96, %dma_wait3A_97] : memref<10240x128xf32, #tpu.memory_space<vmem_shared>> -> memref<10240x128xf32, #tpu.memory_space<vmem_shared>>
      tpu.wait_indirect_dma semaphore(%arg10 : memref<!tpu.dma_semaphore, #tpu.memory_space<semaphore_mem>>) src(%arg6 : memref<128x128xf32, #tpu.memory_space<vmem>>) dst(%dma_wait3A_98 : memref<10240x128xf32, #tpu.memory_space<vmem_shared>>)
      %add3A_99 = arith.constant 2 : i32
      %add3A_100 = arith.addi %add3A_78, %add3A_99 : i32
      %lt3A = arith.constant 40 : i32
      %lt3A_101 = arith.cmpi slt, %add3A_100, %lt3A : i32
      %convert_element_type3A = arith.extui %lt3A_101 : i1 to i32
      %cond3A = arith.constant 0 : i32
      %cond3A_102 = arith.cmpi ne, %convert_element_type3A, %cond3A : i32
      scf.if %cond3A_102 {
        %add3A_135 = arith.constant 2 : i32
        %add3A_136 = arith.addi %add3A_78, %add3A_135 : i32
        %dma_start3A_137 = arith.constant 0 : i32
        %dma_start3A_138 = arith.constant 0 : i32
        %dma_start3A_139 = tpu.memref_slice %arg5[%dma_start3A_137, %add3A_136, %dma_start3A_138] : memref<2x40x128xi32, #tpu.memory_space<vmem>> -> memref<1x1x128xi32, #tpu.memory_space<vmem>>
        %dma_start3A_140 = tpu.memref_squeeze %dma_start3A_139 : memref<1x1x128xi32, #tpu.memory_space<vmem>> -> memref<128xi32, #tpu.memory_space<vmem>>
        %dma_start3A_141 = arith.constant 0 : i32
        %dma_start3A_142 = arith.constant 0 : i32
        %dma_start3A_143 = tpu.memref_slice %arg2[%dma_start3A_141, %dma_start3A_142] : memref<10000x128xf32, #tpu.memory_space<hbm>> -> memref<10000x128xf32, #tpu.memory_space<hbm>>
        tpu.enqueue_indirect_dma source(%dma_start3A_143 : memref<10000x128xf32, #tpu.memory_space<hbm>>) target(%arg6 : memref<128x128xf32, #tpu.memory_space<vmem>>) offsets(%dma_start3A_140 : memref<128xi32, #tpu.memory_space<vmem>>) semaphore(%arg8 : memref<!tpu.dma_semaphore, #tpu.memory_space<semaphore_mem>>)
      } else {
      }
      %mul3A_103 = arith.constant 2 : i32
      %mul3A_104 = arith.muli %mul3A_103, %scan3A_74 : i32
      %add3A_105 = arith.constant 1 : i32
      %add3A_106 = arith.addi %mul3A_104, %add3A_105 : i32
      %dma_wait3A_107 = arith.constant 0 : i32
      %dma_wait3A_108 = arith.constant 0 : i32
      %dma_wait3A_109 = tpu.memref_slice %arg5[%dma_wait3A_107, %add3A_106, %dma_wait3A_108] : memref<2x40x128xi32, #tpu.memory_space<vmem>> -> memref<1x1x128xi32, #tpu.memory_space<vmem>>
      %dma_wait3A_110 = tpu.memref_squeeze %dma_wait3A_109 : memref<1x1x128xi32, #tpu.memory_space<vmem>> -> memref<128xi32, #tpu.memory_space<vmem>>
      %dma_wait3A_111 = arith.constant 0 : i32
      %dma_wait3A_112 = arith.constant 0 : i32
      %dma_wait3A_113 = tpu.memref_slice %arg2[%dma_wait3A_111, %dma_wait3A_112] : memref<10000x128xf32, #tpu.memory_space<hbm>> -> memref<10000x128xf32, #tpu.memory_space<hbm>>
      tpu.wait_indirect_dma semaphore(%arg9 : memref<!tpu.dma_semaphore, #tpu.memory_space<semaphore_mem>>) src(%dma_wait3A_113 : memref<10000x128xf32, #tpu.memory_space<hbm>>) dst(%arg7 : memref<128x128xf32, #tpu.memory_space<vmem>>)
      %dma_start3A_114 = arith.constant 1 : i32
      %dma_start3A_115 = arith.constant 0 : i32
      %dma_start3A_116 = tpu.memref_slice %arg5[%dma_start3A_114, %add3A_106, %dma_start3A_115] : memref<2x40x128xi32, #tpu.memory_space<vmem>> -> memref<1x1x128xi32, #tpu.memory_space<vmem>>
      %dma_start3A_117 = tpu.memref_squeeze %dma_start3A_116 : memref<1x1x128xi32, #tpu.memory_space<vmem>> -> memref<128xi32, #tpu.memory_space<vmem>>
      %dma_start3A_118 = arith.constant 0 : i32
      %dma_start3A_119 = arith.constant 0 : i32
      %dma_start3A_120 = tpu.memref_slice %arg12[%dma_start3A_118, %dma_start3A_119] : memref<10240x128xf32, #tpu.memory_space<vmem_shared>> -> memref<10240x128xf32, #tpu.memory_space<vmem_shared>>
      tpu.enqueue_indirect_dma source(%arg7 : memref<128x128xf32, #tpu.memory_space<vmem>>) target(%dma_start3A_120 : memref<10240x128xf32, #tpu.memory_space<vmem_shared>>) offsets(%dma_start3A_117 : memref<128xi32, #tpu.memory_space<vmem>>) semaphore(%arg11 : memref<!tpu.dma_semaphore, #tpu.memory_space<semaphore_mem>>) {add = true}
      %dma_wait3A_121 = arith.constant 1 : i32
      %dma_wait3A_122 = arith.constant 0 : i32
      %dma_wait3A_123 = tpu.memref_slice %arg5[%dma_wait3A_121, %add3A_106, %dma_wait3A_122] : memref<2x40x128xi32, #tpu.memory_space<vmem>> -> memref<1x1x128xi32, #tpu.memory_space<vmem>>
      %dma_wait3A_124 = tpu.memref_squeeze %dma_wait3A_123 : memref<1x1x128xi32, #tpu.memory_space<vmem>> -> memref<128xi32, #tpu.memory_space<vmem>>
      %dma_wait3A_125 = arith.constant 0 : i32
      %dma_wait3A_126 = arith.constant 0 : i32
      %dma_wait3A_127 = tpu.memref_slice %arg12[%dma_wait3A_125, %dma_wait3A_126] : memref<10240x128xf32, #tpu.memory_space<vmem_shared>> -> memref<10240x128xf32, #tpu.memory_space<vmem_shared>>
      tpu.wait_indirect_dma semaphore(%arg11 : memref<!tpu.dma_semaphore, #tpu.memory_space<semaphore_mem>>) src(%arg7 : memref<128x128xf32, #tpu.memory_space<vmem>>) dst(%dma_wait3A_127 : memref<10240x128xf32, #tpu.memory_space<vmem_shared>>)
      %add3A_128 = arith.constant 2 : i32
      %add3A_129 = arith.addi %add3A_106, %add3A_128 : i32
      %lt3A_130 = arith.constant 40 : i32
      %lt3A_131 = arith.cmpi slt, %add3A_129, %lt3A_130 : i32
      %convert_element_type3A_132 = arith.extui %lt3A_131 : i1 to i32
      %cond3A_133 = arith.constant 0 : i32
      %cond3A_134 = arith.cmpi ne, %convert_element_type3A_132, %cond3A_133 : i32
      scf.if %cond3A_134 {
        %add3A_135 = arith.constant 2 : i32
        %add3A_136 = arith.addi %add3A_106, %add3A_135 : i32
        %dma_start3A_137 = arith.constant 0 : i32
        %dma_start3A_138 = arith.constant 0 : i32
        %dma_start3A_139 = tpu.memref_slice %arg5[%dma_start3A_137, %add3A_136, %dma_start3A_138] : memref<2x40x128xi32, #tpu.memory_space<vmem>> -> memref<1x1x128xi32, #tpu.memory_space<vmem>>
        %dma_start3A_140 = tpu.memref_squeeze %dma_start3A_139 : memref<1x1x128xi32, #tpu.memory_space<vmem>> -> memref<128xi32, #tpu.memory_space<vmem>>
        %dma_start3A_141 = arith.constant 0 : i32
        %dma_start3A_142 = arith.constant 0 : i32
        %dma_start3A_143 = tpu.memref_slice %arg2[%dma_start3A_141, %dma_start3A_142] : memref<10000x128xf32, #tpu.memory_space<hbm>> -> memref<10000x128xf32, #tpu.memory_space<hbm>>
        tpu.enqueue_indirect_dma source(%dma_start3A_143 : memref<10000x128xf32, #tpu.memory_space<hbm>>) target(%arg7 : memref<128x128xf32, #tpu.memory_space<vmem>>) offsets(%dma_start3A_140 : memref<128xi32, #tpu.memory_space<vmem>>) semaphore(%arg9 : memref<!tpu.dma_semaphore, #tpu.memory_space<semaphore_mem>>)
      } else {
      }
    }
    %scan3A_44 = arith.constant 20 : i32
    "tpu.region"() ({
      %run_scoped3A = tpu.sem_alloc : memref<!tpu.dma_semaphore, #tpu.memory_space<semaphore_mem>>
      %dma_start3A_74 = arith.constant 0 : i32
      %dma_start3A_75 = arith.constant 40 : i32
      %dma_start3A_76 = arith.constant 0 : i32
      %dma_start3A_77 = tpu.memref_slice %arg3[%add3A_24, %dma_start3A_74, %dma_start3A_75, %dma_start3A_76] : memref<32x2x80x128xi32, #tpu.memory_space<hbm>> -> memref<1x2x40x128xi32, #tpu.memory_space<hbm>>
      %dma_start3A_78 = tpu.memref_squeeze %dma_start3A_77 : memref<1x2x40x128xi32, #tpu.memory_space<hbm>> -> memref<2x40x128xi32, #tpu.memory_space<hbm>>
      %dma_start3A_79 = arith.constant 0 : i32
      %dma_start3A_80 = arith.constant 40 : i32
      %dma_start3A_81 = arith.constant 0 : i32
      %dma_start3A_82 = tpu.memref_slice %arg3[%add3A_24, %dma_start3A_79, %dma_start3A_80, %dma_start3A_81] : memref<32x2x80x128xi32, #tpu.memory_space<hbm>> -> memref<1x2x40x128xi32, #tpu.memory_space<hbm>>
      %dma_start3A_83 = tpu.memref_squeeze %dma_start3A_82 : memref<1x2x40x128xi32, #tpu.memory_space<hbm>> -> memref<2x40x128xi32, #tpu.memory_space<hbm>>
      tpu.enqueue_dma source(%dma_start3A_83 : memref<2x40x128xi32, #tpu.memory_space<hbm>>) target(%arg5 : memref<2x40x128xi32, #tpu.memory_space<vmem>>) target_semaphore(%run_scoped3A : memref<!tpu.dma_semaphore, #tpu.memory_space<semaphore_mem>>)
      %dma_wait3A = arith.constant 0 : i32
      %dma_wait3A_84 = arith.constant 40 : i32
      %dma_wait3A_85 = arith.constant 0 : i32
      %dma_wait3A_86 = tpu.memref_slice %arg3[%add3A_24, %dma_wait3A, %dma_wait3A_84, %dma_wait3A_85] : memref<32x2x80x128xi32, #tpu.memory_space<hbm>> -> memref<1x2x40x128xi32, #tpu.memory_space<hbm>>
      %dma_wait3A_87 = tpu.memref_squeeze %dma_wait3A_86 : memref<1x2x40x128xi32, #tpu.memory_space<hbm>> -> memref<2x40x128xi32, #tpu.memory_space<hbm>>
      %dma_wait3A_88 = arith.constant 0 : i32
      %dma_wait3A_89 = arith.constant 40 : i32
      %dma_wait3A_90 = arith.constant 0 : i32
      %dma_wait3A_91 = tpu.memref_slice %arg3[%add3A_24, %dma_wait3A_88, %dma_wait3A_89, %dma_wait3A_90] : memref<32x2x80x128xi32, #tpu.memory_space<hbm>> -> memref<1x2x40x128xi32, #tpu.memory_space<hbm>>
      %dma_wait3A_92 = tpu.memref_squeeze %dma_wait3A_91 : memref<1x2x40x128xi32, #tpu.memory_space<hbm>> -> memref<2x40x128xi32, #tpu.memory_space<hbm>>
      tpu.wait_dma2 semaphore(%run_scoped3A : memref<!tpu.dma_semaphore, #tpu.memory_space<semaphore_mem>>) src(%dma_wait3A_92 : memref<2x40x128xi32, #tpu.memory_space<hbm>>) dst(%arg5 : memref<2x40x128xi32, #tpu.memory_space<vmem>>)
      tpu.yield
    }) : () -> ()
    %dma_start3A_45 = arith.constant 0 : i32
    %dma_start3A_46 = arith.constant 0 : i32
    %dma_start3A_47 = arith.constant 0 : i32
    %dma_start3A_48 = tpu.memref_slice %arg5[%dma_start3A_45, %dma_start3A_46, %dma_start3A_47] : memref<2x40x128xi32, #tpu.memory_space<vmem>> -> memref<1x1x128xi32, #tpu.memory_space<vmem>>
    %dma_start3A_49 = tpu.memref_squeeze %dma_start3A_48 : memref<1x1x128xi32, #tpu.memory_space<vmem>> -> memref<128xi32, #tpu.memory_space<vmem>>
    %dma_start3A_50 = arith.constant 0 : i32
    %dma_start3A_51 = arith.constant 0 : i32
    %dma_start3A_52 = tpu.memref_slice %arg2[%dma_start3A_50, %dma_start3A_51] : memref<10000x128xf32, #tpu.memory_space<hbm>> -> memref<10000x128xf32, #tpu.memory_space<hbm>>
    tpu.enqueue_indirect_dma source(%dma_start3A_52 : memref<10000x128xf32, #tpu.memory_space<hbm>>) target(%arg6 : memref<128x128xf32, #tpu.memory_space<vmem>>) offsets(%dma_start3A_49 : memref<128xi32, #tpu.memory_space<vmem>>) semaphore(%arg8 : memref<!tpu.dma_semaphore, #tpu.memory_space<semaphore_mem>>)
    %dma_start3A_53 = arith.constant 0 : i32
    %dma_start3A_54 = arith.constant 1 : i32
    %dma_start3A_55 = arith.constant 0 : i32
    %dma_start3A_56 = tpu.memref_slice %arg5[%dma_start3A_53, %dma_start3A_54, %dma_start3A_55] : memref<2x40x128xi32, #tpu.memory_space<vmem>> -> memref<1x1x128xi32, #tpu.memory_space<vmem>>
    %dma_start3A_57 = tpu.memref_squeeze %dma_start3A_56 : memref<1x1x128xi32, #tpu.memory_space<vmem>> -> memref<128xi32, #tpu.memory_space<vmem>>
    %dma_start3A_58 = arith.constant 0 : i32
    %dma_start3A_59 = arith.constant 0 : i32
    %dma_start3A_60 = tpu.memref_slice %arg2[%dma_start3A_58, %dma_start3A_59] : memref<10000x128xf32, #tpu.memory_space<hbm>> -> memref<10000x128xf32, #tpu.memory_space<hbm>>
    tpu.enqueue_indirect_dma source(%dma_start3A_60 : memref<10000x128xf32, #tpu.memory_space<hbm>>) target(%arg7 : memref<128x128xf32, #tpu.memory_space<vmem>>) offsets(%dma_start3A_57 : memref<128xi32, #tpu.memory_space<vmem>>) semaphore(%arg9 : memref<!tpu.dma_semaphore, #tpu.memory_space<semaphore_mem>>)
    %scan3A_61 = arith.constant 0 : i32
    %scan3A_62 = arith.constant 20 : i32
    %scan3A_63 = arith.addi %scan3A_61, %scan3A_62 : i32
    %scan3A_64 = arith.constant 1 : i32
    scf.for %scan3A_74 = %scan3A_61 to %scan3A_63 step %scan3A_64  : i32 {
      %mul3A_75 = arith.constant 2 : i32
      %mul3A_76 = arith.muli %mul3A_75, %scan3A_74 : i32
      %add3A_77 = arith.constant 0 : i32
      %add3A_78 = arith.addi %mul3A_76, %add3A_77 : i32
      %dma_wait3A = arith.constant 0 : i32
      %dma_wait3A_79 = arith.constant 0 : i32
      %dma_wait3A_80 = tpu.memref_slice %arg5[%dma_wait3A, %add3A_78, %dma_wait3A_79] : memref<2x40x128xi32, #tpu.memory_space<vmem>> -> memref<1x1x128xi32, #tpu.memory_space<vmem>>
      %dma_wait3A_81 = tpu.memref_squeeze %dma_wait3A_80 : memref<1x1x128xi32, #tpu.memory_space<vmem>> -> memref<128xi32, #tpu.memory_space<vmem>>
      %dma_wait3A_82 = arith.constant 0 : i32
      %dma_wait3A_83 = arith.constant 0 : i32
      %dma_wait3A_84 = tpu.memref_slice %arg2[%dma_wait3A_82, %dma_wait3A_83] : memref<10000x128xf32, #tpu.memory_space<hbm>> -> memref<10000x128xf32, #tpu.memory_space<hbm>>
      tpu.wait_indirect_dma semaphore(%arg8 : memref<!tpu.dma_semaphore, #tpu.memory_space<semaphore_mem>>) src(%dma_wait3A_84 : memref<10000x128xf32, #tpu.memory_space<hbm>>) dst(%arg6 : memref<128x128xf32, #tpu.memory_space<vmem>>)
      %dma_start3A_85 = arith.constant 1 : i32
      %dma_start3A_86 = arith.constant 0 : i32
      %dma_start3A_87 = tpu.memref_slice %arg5[%dma_start3A_85, %add3A_78, %dma_start3A_86] : memref<2x40x128xi32, #tpu.memory_space<vmem>> -> memref<1x1x128xi32, #tpu.memory_space<vmem>>
      %dma_start3A_88 = tpu.memref_squeeze %dma_start3A_87 : memref<1x1x128xi32, #tpu.memory_space<vmem>> -> memref<128xi32, #tpu.memory_space<vmem>>
      %dma_start3A_89 = arith.constant 0 : i32
      %dma_start3A_90 = arith.constant 0 : i32
      %dma_start3A_91 = tpu.memref_slice %arg12[%dma_start3A_89, %dma_start3A_90] : memref<10240x128xf32, #tpu.memory_space<vmem_shared>> -> memref<10240x128xf32, #tpu.memory_space<vmem_shared>>
      tpu.enqueue_indirect_dma source(%arg6 : memref<128x128xf32, #tpu.memory_space<vmem>>) target(%dma_start3A_91 : memref<10240x128xf32, #tpu.memory_space<vmem_shared>>) offsets(%dma_start3A_88 : memref<128xi32, #tpu.memory_space<vmem>>) semaphore(%arg10 : memref<!tpu.dma_semaphore, #tpu.memory_space<semaphore_mem>>) {add = true}
      %dma_wait3A_92 = arith.constant 1 : i32
      %dma_wait3A_93 = arith.constant 0 : i32
      %dma_wait3A_94 = tpu.memref_slice %arg5[%dma_wait3A_92, %add3A_78, %dma_wait3A_93] : memref<2x40x128xi32, #tpu.memory_space<vmem>> -> memref<1x1x128xi32, #tpu.memory_space<vmem>>
      %dma_wait3A_95 = tpu.memref_squeeze %dma_wait3A_94 : memref<1x1x128xi32, #tpu.memory_space<vmem>> -> memref<128xi32, #tpu.memory_space<vmem>>
      %dma_wait3A_96 = arith.constant 0 : i32
      %dma_wait3A_97 = arith.constant 0 : i32
      %dma_wait3A_98 = tpu.memref_slice %arg12[%dma_wait3A_96, %dma_wait3A_97] : memref<10240x128xf32, #tpu.memory_space<vmem_shared>> -> memref<10240x128xf32, #tpu.memory_space<vmem_shared>>
      tpu.wait_indirect_dma semaphore(%arg10 : memref<!tpu.dma_semaphore, #tpu.memory_space<semaphore_mem>>) src(%arg6 : memref<128x128xf32, #tpu.memory_space<vmem>>) dst(%dma_wait3A_98 : memref<10240x128xf32, #tpu.memory_space<vmem_shared>>)
      %add3A_99 = arith.constant 2 : i32
      %add3A_100 = arith.addi %add3A_78, %add3A_99 : i32
      %lt3A = arith.constant 40 : i32
      %lt3A_101 = arith.cmpi slt, %add3A_100, %lt3A : i32
      %convert_element_type3A = arith.extui %lt3A_101 : i1 to i32
      %cond3A = arith.constant 0 : i32
      %cond3A_102 = arith.cmpi ne, %convert_element_type3A, %cond3A : i32
      scf.if %cond3A_102 {
        %add3A_135 = arith.constant 2 : i32
        %add3A_136 = arith.addi %add3A_78, %add3A_135 : i32
        %dma_start3A_137 = arith.constant 0 : i32
        %dma_start3A_138 = arith.constant 0 : i32
        %dma_start3A_139 = tpu.memref_slice %arg5[%dma_start3A_137, %add3A_136, %dma_start3A_138] : memref<2x40x128xi32, #tpu.memory_space<vmem>> -> memref<1x1x128xi32, #tpu.memory_space<vmem>>
        %dma_start3A_140 = tpu.memref_squeeze %dma_start3A_139 : memref<1x1x128xi32, #tpu.memory_space<vmem>> -> memref<128xi32, #tpu.memory_space<vmem>>
        %dma_start3A_141 = arith.constant 0 : i32
        %dma_start3A_142 = arith.constant 0 : i32
        %dma_start3A_143 = tpu.memref_slice %arg2[%dma_start3A_141, %dma_start3A_142] : memref<10000x128xf32, #tpu.memory_space<hbm>> -> memref<10000x128xf32, #tpu.memory_space<hbm>>
        tpu.enqueue_indirect_dma source(%dma_start3A_143 : memref<10000x128xf32, #tpu.memory_space<hbm>>) target(%arg6 : memref<128x128xf32, #tpu.memory_space<vmem>>) offsets(%dma_start3A_140 : memref<128xi32, #tpu.memory_space<vmem>>) semaphore(%arg8 : memref<!tpu.dma_semaphore, #tpu.memory_space<semaphore_mem>>)
      } else {
      }
      %mul3A_103 = arith.constant 2 : i32
      %mul3A_104 = arith.muli %mul3A_103, %scan3A_74 : i32
      %add3A_105 = arith.constant 1 : i32
      %add3A_106 = arith.addi %mul3A_104, %add3A_105 : i32
      %dma_wait3A_107 = arith.constant 0 : i32
      %dma_wait3A_108 = arith.constant 0 : i32
      %dma_wait3A_109 = tpu.memref_slice %arg5[%dma_wait3A_107, %add3A_106, %dma_wait3A_108] : memref<2x40x128xi32, #tpu.memory_space<vmem>> -> memref<1x1x128xi32, #tpu.memory_space<vmem>>
      %dma_wait3A_110 = tpu.memref_squeeze %dma_wait3A_109 : memref<1x1x128xi32, #tpu.memory_space<vmem>> -> memref<128xi32, #tpu.memory_space<vmem>>
      %dma_wait3A_111 = arith.constant 0 : i32
      %dma_wait3A_112 = arith.constant 0 : i32
      %dma_wait3A_113 = tpu.memref_slice %arg2[%dma_wait3A_111, %dma_wait3A_112] : memref<10000x128xf32, #tpu.memory_space<hbm>> -> memref<10000x128xf32, #tpu.memory_space<hbm>>
      tpu.wait_indirect_dma semaphore(%arg9 : memref<!tpu.dma_semaphore, #tpu.memory_space<semaphore_mem>>) src(%dma_wait3A_113 : memref<10000x128xf32, #tpu.memory_space<hbm>>) dst(%arg7 : memref<128x128xf32, #tpu.memory_space<vmem>>)
      %dma_start3A_114 = arith.constant 1 : i32
      %dma_start3A_115 = arith.constant 0 : i32
      %dma_start3A_116 = tpu.memref_slice %arg5[%dma_start3A_114, %add3A_106, %dma_start3A_115] : memref<2x40x128xi32, #tpu.memory_space<vmem>> -> memref<1x1x128xi32, #tpu.memory_space<vmem>>
      %dma_start3A_117 = tpu.memref_squeeze %dma_start3A_116 : memref<1x1x128xi32, #tpu.memory_space<vmem>> -> memref<128xi32, #tpu.memory_space<vmem>>
      %dma_start3A_118 = arith.constant 0 : i32
      %dma_start3A_119 = arith.constant 0 : i32
      %dma_start3A_120 = tpu.memref_slice %arg12[%dma_start3A_118, %dma_start3A_119] : memref<10240x128xf32, #tpu.memory_space<vmem_shared>> -> memref<10240x128xf32, #tpu.memory_space<vmem_shared>>
      tpu.enqueue_indirect_dma source(%arg7 : memref<128x128xf32, #tpu.memory_space<vmem>>) target(%dma_start3A_120 : memref<10240x128xf32, #tpu.memory_space<vmem_shared>>) offsets(%dma_start3A_117 : memref<128xi32, #tpu.memory_space<vmem>>) semaphore(%arg11 : memref<!tpu.dma_semaphore, #tpu.memory_space<semaphore_mem>>) {add = true}
      %dma_wait3A_121 = arith.constant 1 : i32
      %dma_wait3A_122 = arith.constant 0 : i32
      %dma_wait3A_123 = tpu.memref_slice %arg5[%dma_wait3A_121, %add3A_106, %dma_wait3A_122] : memref<2x40x128xi32, #tpu.memory_space<vmem>> -> memref<1x1x128xi32, #tpu.memory_space<vmem>>
      %dma_wait3A_124 = tpu.memref_squeeze %dma_wait3A_123 : memref<1x1x128xi32, #tpu.memory_space<vmem>> -> memref<128xi32, #tpu.memory_space<vmem>>
      %dma_wait3A_125 = arith.constant 0 : i32
      %dma_wait3A_126 = arith.constant 0 : i32
      %dma_wait3A_127 = tpu.memref_slice %arg12[%dma_wait3A_125, %dma_wait3A_126] : memref<10240x128xf32, #tpu.memory_space<vmem_shared>> -> memref<10240x128xf32, #tpu.memory_space<vmem_shared>>
      tpu.wait_indirect_dma semaphore(%arg11 : memref<!tpu.dma_semaphore, #tpu.memory_space<semaphore_mem>>) src(%arg7 : memref<128x128xf32, #tpu.memory_space<vmem>>) dst(%dma_wait3A_127 : memref<10240x128xf32, #tpu.memory_space<vmem_shared>>)
      %add3A_128 = arith.constant 2 : i32
      %add3A_129 = arith.addi %add3A_106, %add3A_128 : i32
      %lt3A_130 = arith.constant 40 : i32
      %lt3A_131 = arith.cmpi slt, %add3A_129, %lt3A_130 : i32
      %convert_element_type3A_132 = arith.extui %lt3A_131 : i1 to i32
      %cond3A_133 = arith.constant 0 : i32
      %cond3A_134 = arith.cmpi ne, %convert_element_type3A_132, %cond3A_133 : i32
      scf.if %cond3A_134 {
        %add3A_135 = arith.constant 2 : i32
        %add3A_136 = arith.addi %add3A_106, %add3A_135 : i32
        %dma_start3A_137 = arith.constant 0 : i32
        %dma_start3A_138 = arith.constant 0 : i32
        %dma_start3A_139 = tpu.memref_slice %arg5[%dma_start3A_137, %add3A_136, %dma_start3A_138] : memref<2x40x128xi32, #tpu.memory_space<vmem>> -> memref<1x1x128xi32, #tpu.memory_space<vmem>>
        %dma_start3A_140 = tpu.memref_squeeze %dma_start3A_139 : memref<1x1x128xi32, #tpu.memory_space<vmem>> -> memref<128xi32, #tpu.memory_space<vmem>>
        %dma_start3A_141 = arith.constant 0 : i32
        %dma_start3A_142 = arith.constant 0 : i32
        %dma_start3A_143 = tpu.memref_slice %arg2[%dma_start3A_141, %dma_start3A_142] : memref<10000x128xf32, #tpu.memory_space<hbm>> -> memref<10000x128xf32, #tpu.memory_space<hbm>>
        tpu.enqueue_indirect_dma source(%dma_start3A_143 : memref<10000x128xf32, #tpu.memory_space<hbm>>) target(%arg7 : memref<128x128xf32, #tpu.memory_space<vmem>>) offsets(%dma_start3A_140 : memref<128xi32, #tpu.memory_space<vmem>>) semaphore(%arg9 : memref<!tpu.dma_semaphore, #tpu.memory_space<semaphore_mem>>)
      } else {
      }
    }
    %scan3A_65 = arith.constant 20 : i32
    %barrier3A_66 = arith.constant 0 : index
    tpu.barrier barrier_id(%barrier3A_66)
    %mul3A_67 = arith.constant 10240 : i32
    %mul3A_68 = arith.muli %arg0, %mul3A_67 : i32
    %mul3A_69 = arith.constant 640 : i32
    %mul3A_70 = arith.muli %arg1, %mul3A_69 : i32
    %add3A_71 = arith.addi %mul3A_68, %mul3A_70 : i32
    %mul3A_72 = arith.constant 640 : i32
    %mul3A_73 = arith.muli %arg1, %mul3A_72 : i32
    "tpu.region"() ({
      %run_scoped3A = tpu.sem_alloc : memref<!tpu.dma_semaphore, #tpu.memory_space<semaphore_mem>>
      %dma_start3A_74 = arith.constant 0 : i32
      %dma_start3A_75 = tpu.memref_slice %arg4[%add3A_71, %dma_start3A_74] : memref<20480x128xf32, #tpu.memory_space<hbm>> -> memref<640x128xf32, #tpu.memory_space<hbm>>
      %dma_start3A_76 = arith.constant 0 : i32
      %dma_start3A_77 = tpu.memref_slice %arg12[%mul3A_73, %dma_start3A_76] : memref<10240x128xf32, #tpu.memory_space<vmem_shared>> -> memref<640x128xf32, #tpu.memory_space<vmem_shared>>
      tpu.enqueue_dma source(%dma_start3A_77 : memref<640x128xf32, #tpu.memory_space<vmem_shared>>) target(%dma_start3A_75 : memref<640x128xf32, #tpu.memory_space<hbm>>) target_semaphore(%run_scoped3A : memref<!tpu.dma_semaphore, #tpu.memory_space<semaphore_mem>>)
      %dma_wait3A = arith.constant 0 : i32
      %dma_wait3A_78 = tpu.memref_slice %arg4[%add3A_71, %dma_wait3A] : memref<20480x128xf32, #tpu.memory_space<hbm>> -> memref<640x128xf32, #tpu.memory_space<hbm>>
      %dma_wait3A_79 = arith.constant 0 : i32
      %dma_wait3A_80 = tpu.memref_slice %arg12[%mul3A_73, %dma_wait3A_79] : memref<10240x128xf32, #tpu.memory_space<vmem_shared>> -> memref<640x128xf32, #tpu.memory_space<vmem_shared>>
      tpu.wait_dma2 semaphore(%run_scoped3A : memref<!tpu.dma_semaphore, #tpu.memory_space<semaphore_mem>>) src(%dma_wait3A_80 : memref<640x128xf32, #tpu.memory_space<vmem_shared>>) dst(%dma_wait3A_78 : memref<640x128xf32, #tpu.memory_space<hbm>>)
      tpu.yield
    }) : () -> ()
    return
  }
}

#map = affine_map<(d0, d1) -> (0, 0)>
#map1 = affine_map<(d0, d1) -> (0, 0, 0, 0)>
module attributes {stable_mosaic.version = 14 : i64} {
  func.func @scatter_kernel(%arg0: i32, %arg1: i32, %arg2: memref<10240x128xf32, #tpu.memory_space<hbm>>, %arg3: memref<32x2x80x128xi32, #tpu.memory_space<hbm>>, %arg4: memref<20480x128xf32, #tpu.memory_space<hbm>>, %arg5: memref<2x40x128xi32, #tpu.memory_space<vmem>>, %arg6: memref<128x128xf32, #tpu.memory_space<vmem>>, %arg7: memref<128x128xf32, #tpu.memory_space<vmem>>, %arg8: memref<!tpu.dma_semaphore, #tpu.memory_space<semaphore_mem>>, %arg9: memref<!tpu.dma_semaphore, #tpu.memory_space<semaphore_mem>>, %arg10: memref<!tpu.dma_semaphore, #tpu.memory_space<semaphore_mem>>, %arg11: memref<!tpu.dma_semaphore, #tpu.memory_space<semaphore_mem>>, %arg12: memref<10240x128xf32, #tpu.memory_space<vmem_shared>>) attributes {dimension_semantics = [#tpu.dimension_semantics<core_parallel>, #tpu.dimension_semantics<subcore_parallel>], iteration_bounds = array<i64: 2, 16>, scalar_prefetch = 0 : i64, scratch_operands = 8 : i64, tpu.core_type = #tpu.core_type<sc_vector_subcore>, window_params = [{transform_indices = #map}, {transform_indices = #map1}, {transform_indices = #map}]} {
    %scan3A = arith.constant 0 : i32
    %scan3A_0 = arith.constant 128 : i32
    %scan3A_1 = arith.addi %scan3A, %scan3A_0 : i32
    %scan3A_2 = arith.constant 1 : i32
    scf.for %scan3A_74 = %scan3A to %scan3A_1 step %scan3A_2  : i32 {
      %broadcast_in_dim3A = arith.constant 0.000000e+00 : f32
      %broadcast_in_dim3A_75 = vector.broadcast %broadcast_in_dim3A : f32 to vector<16xf32>
      %swap3A = arith.index_cast %scan3A_74 : i32 to index
      %swap3A_76 = arith.constant 0 : index
      %swap3A_77 = tpu.vector_load %arg6[%swap3A, %swap3A_76] {strides = array<i32>} : memref<128x128xf32, #tpu.memory_space<vmem>>, vector<1x16xf32>,
      %swap3A_78 = vector.shape_cast %swap3A_77 : vector<1x16xf32> to vector<16xf32>
      %swap3A_79 = vector.shape_cast %broadcast_in_dim3A_75 : vector<16xf32> to vector<1x16xf32>
      tpu.vector_store %arg6[%swap3A, %swap3A_76], %swap3A_79 {strides = array<i32>} : memref<128x128xf32, #tpu.memory_space<vmem>>, vector<1x16xf32>,
      %broadcast_in_dim3A_80 = arith.constant 0.000000e+00 : f32
      %broadcast_in_dim3A_81 = vector.broadcast %broadcast_in_dim3A_80 : f32 to vector<16xf32>
      %swap3A_82 = arith.index_cast %scan3A_74 : i32 to index
      %swap3A_83 = arith.constant 16 : index
      %swap3A_84 = tpu.vector_load %arg6[%swap3A_82, %swap3A_83] {strides = array<i32>} : memref<128x128xf32, #tpu.memory_space<vmem>>, vector<1x16xf32>,
      %swap3A_85 = vector.shape_cast %swap3A_84 : vector<1x16xf32> to vector<16xf32>
      %swap3A_86 = vector.shape_cast %broadcast_in_dim3A_81 : vector<16xf32> to vector<1x16xf32>
      tpu.vector_store %arg6[%swap3A_82, %swap3A_83], %swap3A_86 {strides = array<i32>} : memref<128x128xf32, #tpu.memory_space<vmem>>, vector<1x16xf32>,
      %broadcast_in_dim3A_87 = arith.constant 0.000000e+00 : f32
      %broadcast_in_dim3A_88 = vector.broadcast %broadcast_in_dim3A_87 : f32 to vector<16xf32>
      %swap3A_89 = arith.index_cast %scan3A_74 : i32 to index
      %swap3A_90 = arith.constant 32 : index
      %swap3A_91 = tpu.vector_load %arg6[%swap3A_89, %swap3A_90] {strides = array<i32>} : memref<128x128xf32, #tpu.memory_space<vmem>>, vector<1x16xf32>,
      %swap3A_92 = vector.shape_cast %swap3A_91 : vector<1x16xf32> to vector<16xf32>
      %swap3A_93 = vector.shape_cast %broadcast_in_dim3A_88 : vector<16xf32> to vector<1x16xf32>
      tpu.vector_store %arg6[%swap3A_89, %swap3A_90], %swap3A_93 {strides = array<i32>} : memref<128x128xf32, #tpu.memory_space<vmem>>, vector<1x16xf32>,
      %broadcast_in_dim3A_94 = arith.constant 0.000000e+00 : f32
      %broadcast_in_dim3A_95 = vector.broadcast %broadcast_in_dim3A_94 : f32 to vector<16xf32>
      %swap3A_96 = arith.index_cast %scan3A_74 : i32 to index
      %swap3A_97 = arith.constant 48 : index
      %swap3A_98 = tpu.vector_load %arg6[%swap3A_96, %swap3A_97] {strides = array<i32>} : memref<128x128xf32, #tpu.memory_space<vmem>>, vector<1x16xf32>,
      %swap3A_99 = vector.shape_cast %swap3A_98 : vector<1x16xf32> to vector<16xf32>
      %swap3A_100 = vector.shape_cast %broadcast_in_dim3A_95 : vector<16xf32> to vector<1x16xf32>
      tpu.vector_store %arg6[%swap3A_96, %swap3A_97], %swap3A_100 {strides = array<i32>} : memref<128x128xf32, #tpu.memory_space<vmem>>, vector<1x16xf32>,
      %broadcast_in_dim3A_101 = arith.constant 0.000000e+00 : f32
      %broadcast_in_dim3A_102 = vector.broadcast %broadcast_in_dim3A_101 : f32 to vector<16xf32>
      %swap3A_103 = arith.index_cast %scan3A_74 : i32 to index
      %swap3A_104 = arith.constant 64 : index
      %swap3A_105 = tpu.vector_load %arg6[%swap3A_103, %swap3A_104] {strides = array<i32>} : memref<128x128xf32, #tpu.memory_space<vmem>>, vector<1x16xf32>,
      %swap3A_106 = vector.shape_cast %swap3A_105 : vector<1x16xf32> to vector<16xf32>
      %swap3A_107 = vector.shape_cast %broadcast_in_dim3A_102 : vector<16xf32> to vector<1x16xf32>
      tpu.vector_store %arg6[%swap3A_103, %swap3A_104], %swap3A_107 {strides = array<i32>} : memref<128x128xf32, #tpu.memory_space<vmem>>, vector<1x16xf32>,
      %broadcast_in_dim3A_108 = arith.constant 0.000000e+00 : f32
      %broadcast_in_dim3A_109 = vector.broadcast %broadcast_in_dim3A_108 : f32 to vector<16xf32>
      %swap3A_110 = arith.index_cast %scan3A_74 : i32 to index
      %swap3A_111 = arith.constant 80 : index
      %swap3A_112 = tpu.vector_load %arg6[%swap3A_110, %swap3A_111] {strides = array<i32>} : memref<128x128xf32, #tpu.memory_space<vmem>>, vector<1x16xf32>,
      %swap3A_113 = vector.shape_cast %swap3A_112 : vector<1x16xf32> to vector<16xf32>
      %swap3A_114 = vector.shape_cast %broadcast_in_dim3A_109 : vector<16xf32> to vector<1x16xf32>
      tpu.vector_store %arg6[%swap3A_110, %swap3A_111], %swap3A_114 {strides = array<i32>} : memref<128x128xf32, #tpu.memory_space<vmem>>, vector<1x16xf32>,
      %broadcast_in_dim3A_115 = arith.constant 0.000000e+00 : f32
      %broadcast_in_dim3A_116 = vector.broadcast %broadcast_in_dim3A_115 : f32 to vector<16xf32>
      %swap3A_117 = arith.index_cast %scan3A_74 : i32 to index
      %swap3A_118 = arith.constant 96 : index
      %swap3A_119 = tpu.vector_load %arg6[%swap3A_117, %swap3A_118] {strides = array<i32>} : memref<128x128xf32, #tpu.memory_space<vmem>>, vector<1x16xf32>,
      %swap3A_120 = vector.shape_cast %swap3A_119 : vector<1x16xf32> to vector<16xf32>
      %swap3A_121 = vector.shape_cast %broadcast_in_dim3A_116 : vector<16xf32> to vector<1x16xf32>
      tpu.vector_store %arg6[%swap3A_117, %swap3A_118], %swap3A_121 {strides = array<i32>} : memref<128x128xf32, #tpu.memory_space<vmem>>, vector<1x16xf32>,
      %broadcast_in_dim3A_122 = arith.constant 0.000000e+00 : f32
      %broadcast_in_dim3A_123 = vector.broadcast %broadcast_in_dim3A_122 : f32 to vector<16xf32>
      %swap3A_124 = arith.index_cast %scan3A_74 : i32 to index
      %swap3A_125 = arith.constant 112 : index
      %swap3A_126 = tpu.vector_load %arg6[%swap3A_124, %swap3A_125] {strides = array<i32>} : memref<128x128xf32, #tpu.memory_space<vmem>>, vector<1x16xf32>,
      %swap3A_127 = vector.shape_cast %swap3A_126 : vector<1x16xf32> to vector<16xf32>
      %swap3A_128 = vector.shape_cast %broadcast_in_dim3A_123 : vector<16xf32> to vector<1x16xf32>
      tpu.vector_store %arg6[%swap3A_124, %swap3A_125], %swap3A_128 {strides = array<i32>} : memref<128x128xf32, #tpu.memory_space<vmem>>, vector<1x16xf32>,
    }
    %scan3A_3 = arith.constant 128 : i32
    %mul3A = arith.constant 640 : i32
    %mul3A_4 = arith.muli %arg1, %mul3A : i32
    %add3A = arith.constant 0 : i32
    %add3A_5 = arith.addi %mul3A_4, %add3A : i32
    "tpu.region"() ({
      %run_scoped3A = tpu.sem_alloc : memref<!tpu.dma_semaphore, #tpu.memory_space<semaphore_mem>>
      %dma_start3A_74 = arith.constant 0 : i32
      %dma_start3A_75 = tpu.memref_slice %arg12[%add3A_5, %dma_start3A_74] : memref<10240x128xf32, #tpu.memory_space<vmem_shared>> -> memref<128x128xf32, #tpu.memory_space<vmem_shared>>
      %dma_start3A_76 = arith.constant 0 : i32
      %dma_start3A_77 = tpu.memref_slice %arg12[%add3A_5, %dma_start3A_76] : memref<10240x128xf32, #tpu.memory_space<vmem_shared>> -> memref<128x128xf32, #tpu.memory_space<vmem_shared>>
      tpu.enqueue_dma source(%arg6 : memref<128x128xf32, #tpu.memory_space<vmem>>) target(%dma_start3A_77 : memref<128x128xf32, #tpu.memory_space<vmem_shared>>) target_semaphore(%run_scoped3A : memref<!tpu.dma_semaphore, #tpu.memory_space<semaphore_mem>>)
      %dma_wait3A = arith.constant 0 : i32
      %dma_wait3A_78 = tpu.memref_slice %arg12[%add3A_5, %dma_wait3A] : memref<10240x128xf32, #tpu.memory_space<vmem_shared>> -> memref<128x128xf32, #tpu.memory_space<vmem_shared>>
      %dma_wait3A_79 = arith.constant 0 : i32
      %dma_wait3A_80 = tpu.memref_slice %arg12[%add3A_5, %dma_wait3A_79] : memref<10240x128xf32, #tpu.memory_space<vmem_shared>> -> memref<128x128xf32, #tpu.memory_space<vmem_shared>>
      tpu.wait_dma2 semaphore(%run_scoped3A : memref<!tpu.dma_semaphore, #tpu.memory_space<semaphore_mem>>) src(%arg6 : memref<128x128xf32, #tpu.memory_space<vmem>>) dst(%dma_wait3A_80 : memref<128x128xf32, #tpu.memory_space<vmem_shared>>)
      tpu.yield
    }) : () -> ()
    %mul3A_6 = arith.constant 640 : i32
    %mul3A_7 = arith.muli %arg1, %mul3A_6 : i32
    %add3A_8 = arith.constant 128 : i32
    %add3A_9 = arith.addi %mul3A_7, %add3A_8 : i32
    "tpu.region"() ({
      %run_scoped3A = tpu.sem_alloc : memref<!tpu.dma_semaphore, #tpu.memory_space<semaphore_mem>>
      %dma_start3A_74 = arith.constant 0 : i32
      %dma_start3A_75 = tpu.memref_slice %arg12[%add3A_9, %dma_start3A_74] : memref<10240x128xf32, #tpu.memory_space<vmem_shared>> -> memref<128x128xf32, #tpu.memory_space<vmem_shared>>
      %dma_start3A_76 = arith.constant 0 : i32
      %dma_start3A_77 = tpu.memref_slice %arg12[%add3A_9, %dma_start3A_76] : memref<10240x128xf32, #tpu.memory_space<vmem_shared>> -> memref<128x128xf32, #tpu.memory_space<vmem_shared>>
      tpu.enqueue_dma source(%arg6 : memref<128x128xf32, #tpu.memory_space<vmem>>) target(%dma_start3A_77 : memref<128x128xf32, #tpu.memory_space<vmem_shared>>) target_semaphore(%run_scoped3A : memref<!tpu.dma_semaphore, #tpu.memory_space<semaphore_mem>>)
      %dma_wait3A = arith.constant 0 : i32
      %dma_wait3A_78 = tpu.memref_slice %arg12[%add3A_9, %dma_wait3A] : memref<10240x128xf32, #tpu.memory_space<vmem_shared>> -> memref<128x128xf32, #tpu.memory_space<vmem_shared>>
      %dma_wait3A_79 = arith.constant 0 : i32
      %dma_wait3A_80 = tpu.memref_slice %arg12[%add3A_9, %dma_wait3A_79] : memref<10240x128xf32, #tpu.memory_space<vmem_shared>> -> memref<128x128xf32, #tpu.memory_space<vmem_shared>>
      tpu.wait_dma2 semaphore(%run_scoped3A : memref<!tpu.dma_semaphore, #tpu.memory_space<semaphore_mem>>) src(%arg6 : memref<128x128xf32, #tpu.memory_space<vmem>>) dst(%dma_wait3A_80 : memref<128x128xf32, #tpu.memory_space<vmem_shared>>)
      tpu.yield
    }) : () -> ()
    %mul3A_10 = arith.constant 640 : i32
    %mul3A_11 = arith.muli %arg1, %mul3A_10 : i32
    %add3A_12 = arith.constant 256 : i32
    %add3A_13 = arith.addi %mul3A_11, %add3A_12 : i32
    "tpu.region"() ({
      %run_scoped3A = tpu.sem_alloc : memref<!tpu.dma_semaphore, #tpu.memory_space<semaphore_mem>>
      %dma_start3A_74 = arith.constant 0 : i32
      %dma_start3A_75 = tpu.memref_slice %arg12[%add3A_13, %dma_start3A_74] : memref<10240x128xf32, #tpu.memory_space<vmem_shared>> -> memref<128x128xf32, #tpu.memory_space<vmem_shared>>
      %dma_start3A_76 = arith.constant 0 : i32
      %dma_start3A_77 = tpu.memref_slice %arg12[%add3A_13, %dma_start3A_76] : memref<10240x128xf32, #tpu.memory_space<vmem_shared>> -> memref<128x128xf32, #tpu.memory_space<vmem_shared>>
      tpu.enqueue_dma source(%arg6 : memref<128x128xf32, #tpu.memory_space<vmem>>) target(%dma_start3A_77 : memref<128x128xf32, #tpu.memory_space<vmem_shared>>) target_semaphore(%run_scoped3A : memref<!tpu.dma_semaphore, #tpu.memory_space<semaphore_mem>>)
      %dma_wait3A = arith.constant 0 : i32
      %dma_wait3A_78 = tpu.memref_slice %arg12[%add3A_13, %dma_wait3A] : memref<10240x128xf32, #tpu.memory_space<vmem_shared>> -> memref<128x128xf32, #tpu.memory_space<vmem_shared>>
      %dma_wait3A_79 = arith.constant 0 : i32
      %dma_wait3A_80 = tpu.memref_slice %arg12[%add3A_13, %dma_wait3A_79] : memref<10240x128xf32, #tpu.memory_space<vmem_shared>> -> memref<128x128xf32, #tpu.memory_space<vmem_shared>>
      tpu.wait_dma2 semaphore(%run_scoped3A : memref<!tpu.dma_semaphore, #tpu.memory_space<semaphore_mem>>) src(%arg6 : memref<128x128xf32, #tpu.memory_space<vmem>>) dst(%dma_wait3A_80 : memref<128x128xf32, #tpu.memory_space<vmem_shared>>)
      tpu.yield
    }) : () -> ()
    %mul3A_14 = arith.constant 640 : i32
    %mul3A_15 = arith.muli %arg1, %mul3A_14 : i32
    %add3A_16 = arith.constant 384 : i32
    %add3A_17 = arith.addi %mul3A_15, %add3A_16 : i32
    "tpu.region"() ({
      %run_scoped3A = tpu.sem_alloc : memref<!tpu.dma_semaphore, #tpu.memory_space<semaphore_mem>>
      %dma_start3A_74 = arith.constant 0 : i32
      %dma_start3A_75 = tpu.memref_slice %arg12[%add3A_17, %dma_start3A_74] : memref<10240x128xf32, #tpu.memory_space<vmem_shared>> -> memref<128x128xf32, #tpu.memory_space<vmem_shared>>
      %dma_start3A_76 = arith.constant 0 : i32
      %dma_start3A_77 = tpu.memref_slice %arg12[%add3A_17, %dma_start3A_76] : memref<10240x128xf32, #tpu.memory_space<vmem_shared>> -> memref<128x128xf32, #tpu.memory_space<vmem_shared>>
      tpu.enqueue_dma source(%arg6 : memref<128x128xf32, #tpu.memory_space<vmem>>) target(%dma_start3A_77 : memref<128x128xf32, #tpu.memory_space<vmem_shared>>) target_semaphore(%run_scoped3A : memref<!tpu.dma_semaphore, #tpu.memory_space<semaphore_mem>>)
      %dma_wait3A = arith.constant 0 : i32
      %dma_wait3A_78 = tpu.memref_slice %arg12[%add3A_17, %dma_wait3A] : memref<10240x128xf32, #tpu.memory_space<vmem_shared>> -> memref<128x128xf32, #tpu.memory_space<vmem_shared>>
      %dma_wait3A_79 = arith.constant 0 : i32
      %dma_wait3A_80 = tpu.memref_slice %arg12[%add3A_17, %dma_wait3A_79] : memref<10240x128xf32, #tpu.memory_space<vmem_shared>> -> memref<128x128xf32, #tpu.memory_space<vmem_shared>>
      tpu.wait_dma2 semaphore(%run_scoped3A : memref<!tpu.dma_semaphore, #tpu.memory_space<semaphore_mem>>) src(%arg6 : memref<128x128xf32, #tpu.memory_space<vmem>>) dst(%dma_wait3A_80 : memref<128x128xf32, #tpu.memory_space<vmem_shared>>)
      tpu.yield
    }) : () -> ()
    %mul3A_18 = arith.constant 640 : i32
    %mul3A_19 = arith.muli %arg1, %mul3A_18 : i32
    %add3A_20 = arith.constant 512 : i32
    %add3A_21 = arith.addi %mul3A_19, %add3A_20 : i32
    "tpu.region"() ({
      %run_scoped3A = tpu.sem_alloc : memref<!tpu.dma_semaphore, #tpu.memory_space<semaphore_mem>>
      %dma_start3A_74 = arith.constant 0 : i32
      %dma_start3A_75 = tpu.memref_slice %arg12[%add3A_21, %dma_start3A_74] : memref<10240x128xf32, #tpu.memory_space<vmem_shared>> -> memref<128x128xf32, #tpu.memory_space<vmem_shared>>
      %dma_start3A_76 = arith.constant 0 : i32
      %dma_start3A_77 = tpu.memref_slice %arg12[%add3A_21, %dma_start3A_76] : memref<10240x128xf32, #tpu.memory_space<vmem_shared>> -> memref<128x128xf32, #tpu.memory_space<vmem_shared>>
      tpu.enqueue_dma source(%arg6 : memref<128x128xf32, #tpu.memory_space<vmem>>) target(%dma_start3A_77 : memref<128x128xf32, #tpu.memory_space<vmem_shared>>) target_semaphore(%run_scoped3A : memref<!tpu.dma_semaphore, #tpu.memory_space<semaphore_mem>>)
      %dma_wait3A = arith.constant 0 : i32
      %dma_wait3A_78 = tpu.memref_slice %arg12[%add3A_21, %dma_wait3A] : memref<10240x128xf32, #tpu.memory_space<vmem_shared>> -> memref<128x128xf32, #tpu.memory_space<vmem_shared>>
      %dma_wait3A_79 = arith.constant 0 : i32
      %dma_wait3A_80 = tpu.memref_slice %arg12[%add3A_21, %dma_wait3A_79] : memref<10240x128xf32, #tpu.memory_space<vmem_shared>> -> memref<128x128xf32, #tpu.memory_space<vmem_shared>>
      tpu.wait_dma2 semaphore(%run_scoped3A : memref<!tpu.dma_semaphore, #tpu.memory_space<semaphore_mem>>) src(%arg6 : memref<128x128xf32, #tpu.memory_space<vmem>>) dst(%dma_wait3A_80 : memref<128x128xf32, #tpu.memory_space<vmem_shared>>)
      tpu.yield
    }) : () -> ()
    %barrier3A = arith.constant 0 : index
    tpu.barrier barrier_id(%barrier3A)
    %mul3A_22 = arith.constant 16 : i32
    %mul3A_23 = arith.muli %arg0, %mul3A_22 : i32
    %add3A_24 = arith.addi %mul3A_23, %arg1 : i32
    "tpu.region"() ({
      %run_scoped3A = tpu.sem_alloc : memref<!tpu.dma_semaphore, #tpu.memory_space<semaphore_mem>>
      %dma_start3A_74 = arith.constant 0 : i32
      %dma_start3A_75 = arith.constant 0 : i32
      %dma_start3A_76 = arith.constant 0 : i32
      %dma_start3A_77 = tpu.memref_slice %arg3[%add3A_24, %dma_start3A_74, %dma_start3A_75, %dma_start3A_76] : memref<32x2x80x128xi32, #tpu.memory_space<hbm>> -> memref<1x2x40x128xi32, #tpu.memory_space<hbm>>
      %dma_start3A_78 = tpu.memref_squeeze %dma_start3A_77 : memref<1x2x40x128xi32, #tpu.memory_space<hbm>> -> memref<2x40x128xi32, #tpu.memory_space<hbm>>
      %dma_start3A_79 = arith.constant 0 : i32
      %dma_start3A_80 = arith.constant 0 : i32
      %dma_start3A_81 = arith.constant 0 : i32
      %dma_start3A_82 = tpu.memref_slice %arg3[%add3A_24, %dma_start3A_79, %dma_start3A_80, %dma_start3A_81] : memref<32x2x80x128xi32, #tpu.memory_space<hbm>> -> memref<1x2x40x128xi32, #tpu.memory_space<hbm>>
      %dma_start3A_83 = tpu.memref_squeeze %dma_start3A_82 : memref<1x2x40x128xi32, #tpu.memory_space<hbm>> -> memref<2x40x128xi32, #tpu.memory_space<hbm>>
      tpu.enqueue_dma source(%dma_start3A_83 : memref<2x40x128xi32, #tpu.memory_space<hbm>>) target(%arg5 : memref<2x40x128xi32, #tpu.memory_space<vmem>>) target_semaphore(%run_scoped3A : memref<!tpu.dma_semaphore, #tpu.memory_space<semaphore_mem>>)
      %dma_wait3A = arith.constant 0 : i32
      %dma_wait3A_84 = arith.constant 0 : i32
      %dma_wait3A_85 = arith.constant 0 : i32
      %dma_wait3A_86 = tpu.memref_slice %arg3[%add3A_24, %dma_wait3A, %dma_wait3A_84, %dma_wait3A_85] : memref<32x2x80x128xi32, #tpu.memory_space<hbm>> -> memref<1x2x40x128xi32, #tpu.memory_space<hbm>>
      %dma_wait3A_87 = tpu.memref_squeeze %dma_wait3A_86 : memref<1x2x40x128xi32, #tpu.memory_space<hbm>> -> memref<2x40x128xi32, #tpu.memory_space<hbm>>
      %dma_wait3A_88 = arith.constant 0 : i32
      %dma_wait3A_89 = arith.constant 0 : i32
      %dma_wait3A_90 = arith.constant 0 : i32
      %dma_wait3A_91 = tpu.memref_slice %arg3[%add3A_24, %dma_wait3A_88, %dma_wait3A_89, %dma_wait3A_90] : memref<32x2x80x128xi32, #tpu.memory_space<hbm>> -> memref<1x2x40x128xi32, #tpu.memory_space<hbm>>
      %dma_wait3A_92 = tpu.memref_squeeze %dma_wait3A_91 : memref<1x2x40x128xi32, #tpu.memory_space<hbm>> -> memref<2x40x128xi32, #tpu.memory_space<hbm>>
      tpu.wait_dma2 semaphore(%run_scoped3A : memref<!tpu.dma_semaphore, #tpu.memory_space<semaphore_mem>>) src(%dma_wait3A_92 : memref<2x40x128xi32, #tpu.memory_space<hbm>>) dst(%arg5 : memref<2x40x128xi32, #tpu.memory_space<vmem>>)
      tpu.yield
    }) : () -> ()
    %dma_start3A = arith.constant 0 : i32
    %dma_start3A_25 = arith.constant 0 : i32
    %dma_start3A_26 = arith.constant 0 : i32
    %dma_start3A_27 = tpu.memref_slice %arg5[%dma_start3A, %dma_start3A_25, %dma_start3A_26] : memref<2x40x128xi32, #tpu.memory_space<vmem>> -> memref<1x1x128xi32, #tpu.memory_space<vmem>>
    %dma_start3A_28 = tpu.memref_squeeze %dma_start3A_27 : memref<1x1x128xi32, #tpu.memory_space<vmem>> -> memref<128xi32, #tpu.memory_space<vmem>>
    %dma_start3A_29 = arith.constant 0 : i32
    %dma_start3A_30 = arith.constant 0 : i32
    %dma_start3A_31 = tpu.memref_slice %arg2[%dma_start3A_29, %dma_start3A_30] : memref<10240x128xf32, #tpu.memory_space<hbm>> -> memref<10240x128xf32, #tpu.memory_space<hbm>>
    tpu.enqueue_indirect_dma source(%dma_start3A_31 : memref<10240x128xf32, #tpu.memory_space<hbm>>) target(%arg6 : memref<128x128xf32, #tpu.memory_space<vmem>>) offsets(%dma_start3A_28 : memref<128xi32, #tpu.memory_space<vmem>>) semaphore(%arg8 : memref<!tpu.dma_semaphore, #tpu.memory_space<semaphore_mem>>)
    %dma_start3A_32 = arith.constant 0 : i32
    %dma_start3A_33 = arith.constant 1 : i32
    %dma_start3A_34 = arith.constant 0 : i32
    %dma_start3A_35 = tpu.memref_slice %arg5[%dma_start3A_32, %dma_start3A_33, %dma_start3A_34] : memref<2x40x128xi32, #tpu.memory_space<vmem>> -> memref<1x1x128xi32, #tpu.memory_space<vmem>>
    %dma_start3A_36 = tpu.memref_squeeze %dma_start3A_35 : memref<1x1x128xi32, #tpu.memory_space<vmem>> -> memref<128xi32, #tpu.memory_space<vmem>>
    %dma_start3A_37 = arith.constant 0 : i32
    %dma_start3A_38 = arith.constant 0 : i32
    %dma_start3A_39 = tpu.memref_slice %arg2[%dma_start3A_37, %dma_start3A_38] : memref<10240x128xf32, #tpu.memory_space<hbm>> -> memref<10240x128xf32, #tpu.memory_space<hbm>>
    tpu.enqueue_indirect_dma source(%dma_start3A_39 : memref<10240x128xf32, #tpu.memory_space<hbm>>) target(%arg7 : memref<128x128xf32, #tpu.memory_space<vmem>>) offsets(%dma_start3A_36 : memref<128xi32, #tpu.memory_space<vmem>>) semaphore(%arg9 : memref<!tpu.dma_semaphore, #tpu.memory_space<semaphore_mem>>)
    %scan3A_40 = arith.constant 0 : i32
    %scan3A_41 = arith.constant 20 : i32
    %scan3A_42 = arith.addi %scan3A_40, %scan3A_41 : i32
    %scan3A_43 = arith.constant 1 : i32
    scf.for %scan3A_74 = %scan3A_40 to %scan3A_42 step %scan3A_43  : i32 {
      %mul3A_75 = arith.constant 2 : i32
      %mul3A_76 = arith.muli %mul3A_75, %scan3A_74 : i32
      %add3A_77 = arith.constant 0 : i32
      %add3A_78 = arith.addi %mul3A_76, %add3A_77 : i32
      %dma_wait3A = arith.constant 0 : i32
      %dma_wait3A_79 = arith.constant 0 : i32
      %dma_wait3A_80 = tpu.memref_slice %arg5[%dma_wait3A, %add3A_78, %dma_wait3A_79] : memref<2x40x128xi32, #tpu.memory_space<vmem>> -> memref<1x1x128xi32, #tpu.memory_space<vmem>>
      %dma_wait3A_81 = tpu.memref_squeeze %dma_wait3A_80 : memref<1x1x128xi32, #tpu.memory_space<vmem>> -> memref<128xi32, #tpu.memory_space<vmem>>
      %dma_wait3A_82 = arith.constant 0 : i32
      %dma_wait3A_83 = arith.constant 0 : i32
      %dma_wait3A_84 = tpu.memref_slice %arg2[%dma_wait3A_82, %dma_wait3A_83] : memref<10240x128xf32, #tpu.memory_space<hbm>> -> memref<10240x128xf32, #tpu.memory_space<hbm>>
      tpu.wait_indirect_dma semaphore(%arg8 : memref<!tpu.dma_semaphore, #tpu.memory_space<semaphore_mem>>) src(%dma_wait3A_84 : memref<10240x128xf32, #tpu.memory_space<hbm>>) dst(%arg6 : memref<128x128xf32, #tpu.memory_space<vmem>>)
      %dma_start3A_85 = arith.constant 1 : i32
      %dma_start3A_86 = arith.constant 0 : i32
      %dma_start3A_87 = tpu.memref_slice %arg5[%dma_start3A_85, %add3A_78, %dma_start3A_86] : memref<2x40x128xi32, #tpu.memory_space<vmem>> -> memref<1x1x128xi32, #tpu.memory_space<vmem>>
      %dma_start3A_88 = tpu.memref_squeeze %dma_start3A_87 : memref<1x1x128xi32, #tpu.memory_space<vmem>> -> memref<128xi32, #tpu.memory_space<vmem>>
      %dma_start3A_89 = arith.constant 0 : i32
      %dma_start3A_90 = arith.constant 0 : i32
      %dma_start3A_91 = tpu.memref_slice %arg12[%dma_start3A_89, %dma_start3A_90] : memref<10240x128xf32, #tpu.memory_space<vmem_shared>> -> memref<10240x128xf32, #tpu.memory_space<vmem_shared>>
      tpu.enqueue_indirect_dma source(%arg6 : memref<128x128xf32, #tpu.memory_space<vmem>>) target(%dma_start3A_91 : memref<10240x128xf32, #tpu.memory_space<vmem_shared>>) offsets(%dma_start3A_88 : memref<128xi32, #tpu.memory_space<vmem>>) semaphore(%arg10 : memref<!tpu.dma_semaphore, #tpu.memory_space<semaphore_mem>>) {add = true}
      %dma_wait3A_92 = arith.constant 1 : i32
      %dma_wait3A_93 = arith.constant 0 : i32
      %dma_wait3A_94 = tpu.memref_slice %arg5[%dma_wait3A_92, %add3A_78, %dma_wait3A_93] : memref<2x40x128xi32, #tpu.memory_space<vmem>> -> memref<1x1x128xi32, #tpu.memory_space<vmem>>
      %dma_wait3A_95 = tpu.memref_squeeze %dma_wait3A_94 : memref<1x1x128xi32, #tpu.memory_space<vmem>> -> memref<128xi32, #tpu.memory_space<vmem>>
      %dma_wait3A_96 = arith.constant 0 : i32
      %dma_wait3A_97 = arith.constant 0 : i32
      %dma_wait3A_98 = tpu.memref_slice %arg12[%dma_wait3A_96, %dma_wait3A_97] : memref<10240x128xf32, #tpu.memory_space<vmem_shared>> -> memref<10240x128xf32, #tpu.memory_space<vmem_shared>>
      tpu.wait_indirect_dma semaphore(%arg10 : memref<!tpu.dma_semaphore, #tpu.memory_space<semaphore_mem>>) src(%arg6 : memref<128x128xf32, #tpu.memory_space<vmem>>) dst(%dma_wait3A_98 : memref<10240x128xf32, #tpu.memory_space<vmem_shared>>)
      %add3A_99 = arith.constant 2 : i32
      %add3A_100 = arith.addi %add3A_78, %add3A_99 : i32
      %lt3A = arith.constant 40 : i32
      %lt3A_101 = arith.cmpi slt, %add3A_100, %lt3A : i32
      %convert_element_type3A = arith.extui %lt3A_101 : i1 to i32
      %cond3A = arith.constant 0 : i32
      %cond3A_102 = arith.cmpi ne, %convert_element_type3A, %cond3A : i32
      scf.if %cond3A_102 {
        %add3A_135 = arith.constant 2 : i32
        %add3A_136 = arith.addi %add3A_78, %add3A_135 : i32
        %dma_start3A_137 = arith.constant 0 : i32
        %dma_start3A_138 = arith.constant 0 : i32
        %dma_start3A_139 = tpu.memref_slice %arg5[%dma_start3A_137, %add3A_136, %dma_start3A_138] : memref<2x40x128xi32, #tpu.memory_space<vmem>> -> memref<1x1x128xi32, #tpu.memory_space<vmem>>
        %dma_start3A_140 = tpu.memref_squeeze %dma_start3A_139 : memref<1x1x128xi32, #tpu.memory_space<vmem>> -> memref<128xi32, #tpu.memory_space<vmem>>
        %dma_start3A_141 = arith.constant 0 : i32
        %dma_start3A_142 = arith.constant 0 : i32
        %dma_start3A_143 = tpu.memref_slice %arg2[%dma_start3A_141, %dma_start3A_142] : memref<10240x128xf32, #tpu.memory_space<hbm>> -> memref<10240x128xf32, #tpu.memory_space<hbm>>
        tpu.enqueue_indirect_dma source(%dma_start3A_143 : memref<10240x128xf32, #tpu.memory_space<hbm>>) target(%arg6 : memref<128x128xf32, #tpu.memory_space<vmem>>) offsets(%dma_start3A_140 : memref<128xi32, #tpu.memory_space<vmem>>) semaphore(%arg8 : memref<!tpu.dma_semaphore, #tpu.memory_space<semaphore_mem>>)
      } else {
      }
      %mul3A_103 = arith.constant 2 : i32
      %mul3A_104 = arith.muli %mul3A_103, %scan3A_74 : i32
      %add3A_105 = arith.constant 1 : i32
      %add3A_106 = arith.addi %mul3A_104, %add3A_105 : i32
      %dma_wait3A_107 = arith.constant 0 : i32
      %dma_wait3A_108 = arith.constant 0 : i32
      %dma_wait3A_109 = tpu.memref_slice %arg5[%dma_wait3A_107, %add3A_106, %dma_wait3A_108] : memref<2x40x128xi32, #tpu.memory_space<vmem>> -> memref<1x1x128xi32, #tpu.memory_space<vmem>>
      %dma_wait3A_110 = tpu.memref_squeeze %dma_wait3A_109 : memref<1x1x128xi32, #tpu.memory_space<vmem>> -> memref<128xi32, #tpu.memory_space<vmem>>
      %dma_wait3A_111 = arith.constant 0 : i32
      %dma_wait3A_112 = arith.constant 0 : i32
      %dma_wait3A_113 = tpu.memref_slice %arg2[%dma_wait3A_111, %dma_wait3A_112] : memref<10240x128xf32, #tpu.memory_space<hbm>> -> memref<10240x128xf32, #tpu.memory_space<hbm>>
      tpu.wait_indirect_dma semaphore(%arg9 : memref<!tpu.dma_semaphore, #tpu.memory_space<semaphore_mem>>) src(%dma_wait3A_113 : memref<10240x128xf32, #tpu.memory_space<hbm>>) dst(%arg7 : memref<128x128xf32, #tpu.memory_space<vmem>>)
      %dma_start3A_114 = arith.constant 1 : i32
      %dma_start3A_115 = arith.constant 0 : i32
      %dma_start3A_116 = tpu.memref_slice %arg5[%dma_start3A_114, %add3A_106, %dma_start3A_115] : memref<2x40x128xi32, #tpu.memory_space<vmem>> -> memref<1x1x128xi32, #tpu.memory_space<vmem>>
      %dma_start3A_117 = tpu.memref_squeeze %dma_start3A_116 : memref<1x1x128xi32, #tpu.memory_space<vmem>> -> memref<128xi32, #tpu.memory_space<vmem>>
      %dma_start3A_118 = arith.constant 0 : i32
      %dma_start3A_119 = arith.constant 0 : i32
      %dma_start3A_120 = tpu.memref_slice %arg12[%dma_start3A_118, %dma_start3A_119] : memref<10240x128xf32, #tpu.memory_space<vmem_shared>> -> memref<10240x128xf32, #tpu.memory_space<vmem_shared>>
      tpu.enqueue_indirect_dma source(%arg7 : memref<128x128xf32, #tpu.memory_space<vmem>>) target(%dma_start3A_120 : memref<10240x128xf32, #tpu.memory_space<vmem_shared>>) offsets(%dma_start3A_117 : memref<128xi32, #tpu.memory_space<vmem>>) semaphore(%arg11 : memref<!tpu.dma_semaphore, #tpu.memory_space<semaphore_mem>>) {add = true}
      %dma_wait3A_121 = arith.constant 1 : i32
      %dma_wait3A_122 = arith.constant 0 : i32
      %dma_wait3A_123 = tpu.memref_slice %arg5[%dma_wait3A_121, %add3A_106, %dma_wait3A_122] : memref<2x40x128xi32, #tpu.memory_space<vmem>> -> memref<1x1x128xi32, #tpu.memory_space<vmem>>
      %dma_wait3A_124 = tpu.memref_squeeze %dma_wait3A_123 : memref<1x1x128xi32, #tpu.memory_space<vmem>> -> memref<128xi32, #tpu.memory_space<vmem>>
      %dma_wait3A_125 = arith.constant 0 : i32
      %dma_wait3A_126 = arith.constant 0 : i32
      %dma_wait3A_127 = tpu.memref_slice %arg12[%dma_wait3A_125, %dma_wait3A_126] : memref<10240x128xf32, #tpu.memory_space<vmem_shared>> -> memref<10240x128xf32, #tpu.memory_space<vmem_shared>>
      tpu.wait_indirect_dma semaphore(%arg11 : memref<!tpu.dma_semaphore, #tpu.memory_space<semaphore_mem>>) src(%arg7 : memref<128x128xf32, #tpu.memory_space<vmem>>) dst(%dma_wait3A_127 : memref<10240x128xf32, #tpu.memory_space<vmem_shared>>)
      %add3A_128 = arith.constant 2 : i32
      %add3A_129 = arith.addi %add3A_106, %add3A_128 : i32
      %lt3A_130 = arith.constant 40 : i32
      %lt3A_131 = arith.cmpi slt, %add3A_129, %lt3A_130 : i32
      %convert_element_type3A_132 = arith.extui %lt3A_131 : i1 to i32
      %cond3A_133 = arith.constant 0 : i32
      %cond3A_134 = arith.cmpi ne, %convert_element_type3A_132, %cond3A_133 : i32
      scf.if %cond3A_134 {
        %add3A_135 = arith.constant 2 : i32
        %add3A_136 = arith.addi %add3A_106, %add3A_135 : i32
        %dma_start3A_137 = arith.constant 0 : i32
        %dma_start3A_138 = arith.constant 0 : i32
        %dma_start3A_139 = tpu.memref_slice %arg5[%dma_start3A_137, %add3A_136, %dma_start3A_138] : memref<2x40x128xi32, #tpu.memory_space<vmem>> -> memref<1x1x128xi32, #tpu.memory_space<vmem>>
        %dma_start3A_140 = tpu.memref_squeeze %dma_start3A_139 : memref<1x1x128xi32, #tpu.memory_space<vmem>> -> memref<128xi32, #tpu.memory_space<vmem>>
        %dma_start3A_141 = arith.constant 0 : i32
        %dma_start3A_142 = arith.constant 0 : i32
        %dma_start3A_143 = tpu.memref_slice %arg2[%dma_start3A_141, %dma_start3A_142] : memref<10240x128xf32, #tpu.memory_space<hbm>> -> memref<10240x128xf32, #tpu.memory_space<hbm>>
        tpu.enqueue_indirect_dma source(%dma_start3A_143 : memref<10240x128xf32, #tpu.memory_space<hbm>>) target(%arg7 : memref<128x128xf32, #tpu.memory_space<vmem>>) offsets(%dma_start3A_140 : memref<128xi32, #tpu.memory_space<vmem>>) semaphore(%arg9 : memref<!tpu.dma_semaphore, #tpu.memory_space<semaphore_mem>>)
      } else {
      }
    }
    %scan3A_44 = arith.constant 20 : i32
    "tpu.region"() ({
      %run_scoped3A = tpu.sem_alloc : memref<!tpu.dma_semaphore, #tpu.memory_space<semaphore_mem>>
      %dma_start3A_74 = arith.constant 0 : i32
      %dma_start3A_75 = arith.constant 40 : i32
      %dma_start3A_76 = arith.constant 0 : i32
      %dma_start3A_77 = tpu.memref_slice %arg3[%add3A_24, %dma_start3A_74, %dma_start3A_75, %dma_start3A_76] : memref<32x2x80x128xi32, #tpu.memory_space<hbm>> -> memref<1x2x40x128xi32, #tpu.memory_space<hbm>>
      %dma_start3A_78 = tpu.memref_squeeze %dma_start3A_77 : memref<1x2x40x128xi32, #tpu.memory_space<hbm>> -> memref<2x40x128xi32, #tpu.memory_space<hbm>>
      %dma_start3A_79 = arith.constant 0 : i32
      %dma_start3A_80 = arith.constant 40 : i32
      %dma_start3A_81 = arith.constant 0 : i32
      %dma_start3A_82 = tpu.memref_slice %arg3[%add3A_24, %dma_start3A_79, %dma_start3A_80, %dma_start3A_81] : memref<32x2x80x128xi32, #tpu.memory_space<hbm>> -> memref<1x2x40x128xi32, #tpu.memory_space<hbm>>
      %dma_start3A_83 = tpu.memref_squeeze %dma_start3A_82 : memref<1x2x40x128xi32, #tpu.memory_space<hbm>> -> memref<2x40x128xi32, #tpu.memory_space<hbm>>
      tpu.enqueue_dma source(%dma_start3A_83 : memref<2x40x128xi32, #tpu.memory_space<hbm>>) target(%arg5 : memref<2x40x128xi32, #tpu.memory_space<vmem>>) target_semaphore(%run_scoped3A : memref<!tpu.dma_semaphore, #tpu.memory_space<semaphore_mem>>)
      %dma_wait3A = arith.constant 0 : i32
      %dma_wait3A_84 = arith.constant 40 : i32
      %dma_wait3A_85 = arith.constant 0 : i32
      %dma_wait3A_86 = tpu.memref_slice %arg3[%add3A_24, %dma_wait3A, %dma_wait3A_84, %dma_wait3A_85] : memref<32x2x80x128xi32, #tpu.memory_space<hbm>> -> memref<1x2x40x128xi32, #tpu.memory_space<hbm>>
      %dma_wait3A_87 = tpu.memref_squeeze %dma_wait3A_86 : memref<1x2x40x128xi32, #tpu.memory_space<hbm>> -> memref<2x40x128xi32, #tpu.memory_space<hbm>>
      %dma_wait3A_88 = arith.constant 0 : i32
      %dma_wait3A_89 = arith.constant 40 : i32
      %dma_wait3A_90 = arith.constant 0 : i32
      %dma_wait3A_91 = tpu.memref_slice %arg3[%add3A_24, %dma_wait3A_88, %dma_wait3A_89, %dma_wait3A_90] : memref<32x2x80x128xi32, #tpu.memory_space<hbm>> -> memref<1x2x40x128xi32, #tpu.memory_space<hbm>>
      %dma_wait3A_92 = tpu.memref_squeeze %dma_wait3A_91 : memref<1x2x40x128xi32, #tpu.memory_space<hbm>> -> memref<2x40x128xi32, #tpu.memory_space<hbm>>
      tpu.wait_dma2 semaphore(%run_scoped3A : memref<!tpu.dma_semaphore, #tpu.memory_space<semaphore_mem>>) src(%dma_wait3A_92 : memref<2x40x128xi32, #tpu.memory_space<hbm>>) dst(%arg5 : memref<2x40x128xi32, #tpu.memory_space<vmem>>)
      tpu.yield
    }) : () -> ()
    %dma_start3A_45 = arith.constant 0 : i32
    %dma_start3A_46 = arith.constant 0 : i32
    %dma_start3A_47 = arith.constant 0 : i32
    %dma_start3A_48 = tpu.memref_slice %arg5[%dma_start3A_45, %dma_start3A_46, %dma_start3A_47] : memref<2x40x128xi32, #tpu.memory_space<vmem>> -> memref<1x1x128xi32, #tpu.memory_space<vmem>>
    %dma_start3A_49 = tpu.memref_squeeze %dma_start3A_48 : memref<1x1x128xi32, #tpu.memory_space<vmem>> -> memref<128xi32, #tpu.memory_space<vmem>>
    %dma_start3A_50 = arith.constant 0 : i32
    %dma_start3A_51 = arith.constant 0 : i32
    %dma_start3A_52 = tpu.memref_slice %arg2[%dma_start3A_50, %dma_start3A_51] : memref<10240x128xf32, #tpu.memory_space<hbm>> -> memref<10240x128xf32, #tpu.memory_space<hbm>>
    tpu.enqueue_indirect_dma source(%dma_start3A_52 : memref<10240x128xf32, #tpu.memory_space<hbm>>) target(%arg6 : memref<128x128xf32, #tpu.memory_space<vmem>>) offsets(%dma_start3A_49 : memref<128xi32, #tpu.memory_space<vmem>>) semaphore(%arg8 : memref<!tpu.dma_semaphore, #tpu.memory_space<semaphore_mem>>)
    %dma_start3A_53 = arith.constant 0 : i32
    %dma_start3A_54 = arith.constant 1 : i32
    %dma_start3A_55 = arith.constant 0 : i32
    %dma_start3A_56 = tpu.memref_slice %arg5[%dma_start3A_53, %dma_start3A_54, %dma_start3A_55] : memref<2x40x128xi32, #tpu.memory_space<vmem>> -> memref<1x1x128xi32, #tpu.memory_space<vmem>>
    %dma_start3A_57 = tpu.memref_squeeze %dma_start3A_56 : memref<1x1x128xi32, #tpu.memory_space<vmem>> -> memref<128xi32, #tpu.memory_space<vmem>>
    %dma_start3A_58 = arith.constant 0 : i32
    %dma_start3A_59 = arith.constant 0 : i32
    %dma_start3A_60 = tpu.memref_slice %arg2[%dma_start3A_58, %dma_start3A_59] : memref<10240x128xf32, #tpu.memory_space<hbm>> -> memref<10240x128xf32, #tpu.memory_space<hbm>>
    tpu.enqueue_indirect_dma source(%dma_start3A_60 : memref<10240x128xf32, #tpu.memory_space<hbm>>) target(%arg7 : memref<128x128xf32, #tpu.memory_space<vmem>>) offsets(%dma_start3A_57 : memref<128xi32, #tpu.memory_space<vmem>>) semaphore(%arg9 : memref<!tpu.dma_semaphore, #tpu.memory_space<semaphore_mem>>)
    %scan3A_61 = arith.constant 0 : i32
    %scan3A_62 = arith.constant 20 : i32
    %scan3A_63 = arith.addi %scan3A_61, %scan3A_62 : i32
    %scan3A_64 = arith.constant 1 : i32
    scf.for %scan3A_74 = %scan3A_61 to %scan3A_63 step %scan3A_64  : i32 {
      %mul3A_75 = arith.constant 2 : i32
      %mul3A_76 = arith.muli %mul3A_75, %scan3A_74 : i32
      %add3A_77 = arith.constant 0 : i32
      %add3A_78 = arith.addi %mul3A_76, %add3A_77 : i32
      %dma_wait3A = arith.constant 0 : i32
      %dma_wait3A_79 = arith.constant 0 : i32
      %dma_wait3A_80 = tpu.memref_slice %arg5[%dma_wait3A, %add3A_78, %dma_wait3A_79] : memref<2x40x128xi32, #tpu.memory_space<vmem>> -> memref<1x1x128xi32, #tpu.memory_space<vmem>>
      %dma_wait3A_81 = tpu.memref_squeeze %dma_wait3A_80 : memref<1x1x128xi32, #tpu.memory_space<vmem>> -> memref<128xi32, #tpu.memory_space<vmem>>
      %dma_wait3A_82 = arith.constant 0 : i32
      %dma_wait3A_83 = arith.constant 0 : i32
      %dma_wait3A_84 = tpu.memref_slice %arg2[%dma_wait3A_82, %dma_wait3A_83] : memref<10240x128xf32, #tpu.memory_space<hbm>> -> memref<10240x128xf32, #tpu.memory_space<hbm>>
      tpu.wait_indirect_dma semaphore(%arg8 : memref<!tpu.dma_semaphore, #tpu.memory_space<semaphore_mem>>) src(%dma_wait3A_84 : memref<10240x128xf32, #tpu.memory_space<hbm>>) dst(%arg6 : memref<128x128xf32, #tpu.memory_space<vmem>>)
      %dma_start3A_85 = arith.constant 1 : i32
      %dma_start3A_86 = arith.constant 0 : i32
      %dma_start3A_87 = tpu.memref_slice %arg5[%dma_start3A_85, %add3A_78, %dma_start3A_86] : memref<2x40x128xi32, #tpu.memory_space<vmem>> -> memref<1x1x128xi32, #tpu.memory_space<vmem>>
      %dma_start3A_88 = tpu.memref_squeeze %dma_start3A_87 : memref<1x1x128xi32, #tpu.memory_space<vmem>> -> memref<128xi32, #tpu.memory_space<vmem>>
      %dma_start3A_89 = arith.constant 0 : i32
      %dma_start3A_90 = arith.constant 0 : i32
      %dma_start3A_91 = tpu.memref_slice %arg12[%dma_start3A_89, %dma_start3A_90] : memref<10240x128xf32, #tpu.memory_space<vmem_shared>> -> memref<10240x128xf32, #tpu.memory_space<vmem_shared>>
      tpu.enqueue_indirect_dma source(%arg6 : memref<128x128xf32, #tpu.memory_space<vmem>>) target(%dma_start3A_91 : memref<10240x128xf32, #tpu.memory_space<vmem_shared>>) offsets(%dma_start3A_88 : memref<128xi32, #tpu.memory_space<vmem>>) semaphore(%arg10 : memref<!tpu.dma_semaphore, #tpu.memory_space<semaphore_mem>>) {add = true}
      %dma_wait3A_92 = arith.constant 1 : i32
      %dma_wait3A_93 = arith.constant 0 : i32
      %dma_wait3A_94 = tpu.memref_slice %arg5[%dma_wait3A_92, %add3A_78, %dma_wait3A_93] : memref<2x40x128xi32, #tpu.memory_space<vmem>> -> memref<1x1x128xi32, #tpu.memory_space<vmem>>
      %dma_wait3A_95 = tpu.memref_squeeze %dma_wait3A_94 : memref<1x1x128xi32, #tpu.memory_space<vmem>> -> memref<128xi32, #tpu.memory_space<vmem>>
      %dma_wait3A_96 = arith.constant 0 : i32
      %dma_wait3A_97 = arith.constant 0 : i32
      %dma_wait3A_98 = tpu.memref_slice %arg12[%dma_wait3A_96, %dma_wait3A_97] : memref<10240x128xf32, #tpu.memory_space<vmem_shared>> -> memref<10240x128xf32, #tpu.memory_space<vmem_shared>>
      tpu.wait_indirect_dma semaphore(%arg10 : memref<!tpu.dma_semaphore, #tpu.memory_space<semaphore_mem>>) src(%arg6 : memref<128x128xf32, #tpu.memory_space<vmem>>) dst(%dma_wait3A_98 : memref<10240x128xf32, #tpu.memory_space<vmem_shared>>)
      %add3A_99 = arith.constant 2 : i32
      %add3A_100 = arith.addi %add3A_78, %add3A_99 : i32
      %lt3A = arith.constant 40 : i32
      %lt3A_101 = arith.cmpi slt, %add3A_100, %lt3A : i32
      %convert_element_type3A = arith.extui %lt3A_101 : i1 to i32
      %cond3A = arith.constant 0 : i32
      %cond3A_102 = arith.cmpi ne, %convert_element_type3A, %cond3A : i32
      scf.if %cond3A_102 {
        %add3A_135 = arith.constant 2 : i32
        %add3A_136 = arith.addi %add3A_78, %add3A_135 : i32
        %dma_start3A_137 = arith.constant 0 : i32
        %dma_start3A_138 = arith.constant 0 : i32
        %dma_start3A_139 = tpu.memref_slice %arg5[%dma_start3A_137, %add3A_136, %dma_start3A_138] : memref<2x40x128xi32, #tpu.memory_space<vmem>> -> memref<1x1x128xi32, #tpu.memory_space<vmem>>
        %dma_start3A_140 = tpu.memref_squeeze %dma_start3A_139 : memref<1x1x128xi32, #tpu.memory_space<vmem>> -> memref<128xi32, #tpu.memory_space<vmem>>
        %dma_start3A_141 = arith.constant 0 : i32
        %dma_start3A_142 = arith.constant 0 : i32
        %dma_start3A_143 = tpu.memref_slice %arg2[%dma_start3A_141, %dma_start3A_142] : memref<10240x128xf32, #tpu.memory_space<hbm>> -> memref<10240x128xf32, #tpu.memory_space<hbm>>
        tpu.enqueue_indirect_dma source(%dma_start3A_143 : memref<10240x128xf32, #tpu.memory_space<hbm>>) target(%arg6 : memref<128x128xf32, #tpu.memory_space<vmem>>) offsets(%dma_start3A_140 : memref<128xi32, #tpu.memory_space<vmem>>) semaphore(%arg8 : memref<!tpu.dma_semaphore, #tpu.memory_space<semaphore_mem>>)
      } else {
      }
      %mul3A_103 = arith.constant 2 : i32
      %mul3A_104 = arith.muli %mul3A_103, %scan3A_74 : i32
      %add3A_105 = arith.constant 1 : i32
      %add3A_106 = arith.addi %mul3A_104, %add3A_105 : i32
      %dma_wait3A_107 = arith.constant 0 : i32
      %dma_wait3A_108 = arith.constant 0 : i32
      %dma_wait3A_109 = tpu.memref_slice %arg5[%dma_wait3A_107, %add3A_106, %dma_wait3A_108] : memref<2x40x128xi32, #tpu.memory_space<vmem>> -> memref<1x1x128xi32, #tpu.memory_space<vmem>>
      %dma_wait3A_110 = tpu.memref_squeeze %dma_wait3A_109 : memref<1x1x128xi32, #tpu.memory_space<vmem>> -> memref<128xi32, #tpu.memory_space<vmem>>
      %dma_wait3A_111 = arith.constant 0 : i32
      %dma_wait3A_112 = arith.constant 0 : i32
      %dma_wait3A_113 = tpu.memref_slice %arg2[%dma_wait3A_111, %dma_wait3A_112] : memref<10240x128xf32, #tpu.memory_space<hbm>> -> memref<10240x128xf32, #tpu.memory_space<hbm>>
      tpu.wait_indirect_dma semaphore(%arg9 : memref<!tpu.dma_semaphore, #tpu.memory_space<semaphore_mem>>) src(%dma_wait3A_113 : memref<10240x128xf32, #tpu.memory_space<hbm>>) dst(%arg7 : memref<128x128xf32, #tpu.memory_space<vmem>>)
      %dma_start3A_114 = arith.constant 1 : i32
      %dma_start3A_115 = arith.constant 0 : i32
      %dma_start3A_116 = tpu.memref_slice %arg5[%dma_start3A_114, %add3A_106, %dma_start3A_115] : memref<2x40x128xi32, #tpu.memory_space<vmem>> -> memref<1x1x128xi32, #tpu.memory_space<vmem>>
      %dma_start3A_117 = tpu.memref_squeeze %dma_start3A_116 : memref<1x1x128xi32, #tpu.memory_space<vmem>> -> memref<128xi32, #tpu.memory_space<vmem>>
      %dma_start3A_118 = arith.constant 0 : i32
      %dma_start3A_119 = arith.constant 0 : i32
      %dma_start3A_120 = tpu.memref_slice %arg12[%dma_start3A_118, %dma_start3A_119] : memref<10240x128xf32, #tpu.memory_space<vmem_shared>> -> memref<10240x128xf32, #tpu.memory_space<vmem_shared>>
      tpu.enqueue_indirect_dma source(%arg7 : memref<128x128xf32, #tpu.memory_space<vmem>>) target(%dma_start3A_120 : memref<10240x128xf32, #tpu.memory_space<vmem_shared>>) offsets(%dma_start3A_117 : memref<128xi32, #tpu.memory_space<vmem>>) semaphore(%arg11 : memref<!tpu.dma_semaphore, #tpu.memory_space<semaphore_mem>>) {add = true}
      %dma_wait3A_121 = arith.constant 1 : i32
      %dma_wait3A_122 = arith.constant 0 : i32
      %dma_wait3A_123 = tpu.memref_slice %arg5[%dma_wait3A_121, %add3A_106, %dma_wait3A_122] : memref<2x40x128xi32, #tpu.memory_space<vmem>> -> memref<1x1x128xi32, #tpu.memory_space<vmem>>
      %dma_wait3A_124 = tpu.memref_squeeze %dma_wait3A_123 : memref<1x1x128xi32, #tpu.memory_space<vmem>> -> memref<128xi32, #tpu.memory_space<vmem>>
      %dma_wait3A_125 = arith.constant 0 : i32
      %dma_wait3A_126 = arith.constant 0 : i32
      %dma_wait3A_127 = tpu.memref_slice %arg12[%dma_wait3A_125, %dma_wait3A_126] : memref<10240x128xf32, #tpu.memory_space<vmem_shared>> -> memref<10240x128xf32, #tpu.memory_space<vmem_shared>>
      tpu.wait_indirect_dma semaphore(%arg11 : memref<!tpu.dma_semaphore, #tpu.memory_space<semaphore_mem>>) src(%arg7 : memref<128x128xf32, #tpu.memory_space<vmem>>) dst(%dma_wait3A_127 : memref<10240x128xf32, #tpu.memory_space<vmem_shared>>)
      %add3A_128 = arith.constant 2 : i32
      %add3A_129 = arith.addi %add3A_106, %add3A_128 : i32
      %lt3A_130 = arith.constant 40 : i32
      %lt3A_131 = arith.cmpi slt, %add3A_129, %lt3A_130 : i32
      %convert_element_type3A_132 = arith.extui %lt3A_131 : i1 to i32
      %cond3A_133 = arith.constant 0 : i32
      %cond3A_134 = arith.cmpi ne, %convert_element_type3A_132, %cond3A_133 : i32
      scf.if %cond3A_134 {
        %add3A_135 = arith.constant 2 : i32
        %add3A_136 = arith.addi %add3A_106, %add3A_135 : i32
        %dma_start3A_137 = arith.constant 0 : i32
        %dma_start3A_138 = arith.constant 0 : i32
        %dma_start3A_139 = tpu.memref_slice %arg5[%dma_start3A_137, %add3A_136, %dma_start3A_138] : memref<2x40x128xi32, #tpu.memory_space<vmem>> -> memref<1x1x128xi32, #tpu.memory_space<vmem>>
        %dma_start3A_140 = tpu.memref_squeeze %dma_start3A_139 : memref<1x1x128xi32, #tpu.memory_space<vmem>> -> memref<128xi32, #tpu.memory_space<vmem>>
        %dma_start3A_141 = arith.constant 0 : i32
        %dma_start3A_142 = arith.constant 0 : i32
        %dma_start3A_143 = tpu.memref_slice %arg2[%dma_start3A_141, %dma_start3A_142] : memref<10240x128xf32, #tpu.memory_space<hbm>> -> memref<10240x128xf32, #tpu.memory_space<hbm>>
        tpu.enqueue_indirect_dma source(%dma_start3A_143 : memref<10240x128xf32, #tpu.memory_space<hbm>>) target(%arg7 : memref<128x128xf32, #tpu.memory_space<vmem>>) offsets(%dma_start3A_140 : memref<128xi32, #tpu.memory_space<vmem>>) semaphore(%arg9 : memref<!tpu.dma_semaphore, #tpu.memory_space<semaphore_mem>>)
      } else {
      }
    }
    %scan3A_65 = arith.constant 20 : i32
    %barrier3A_66 = arith.constant 0 : index
    tpu.barrier barrier_id(%barrier3A_66)
    %mul3A_67 = arith.constant 10240 : i32
    %mul3A_68 = arith.muli %arg0, %mul3A_67 : i32
    %mul3A_69 = arith.constant 640 : i32
    %mul3A_70 = arith.muli %arg1, %mul3A_69 : i32
    %add3A_71 = arith.addi %mul3A_68, %mul3A_70 : i32
    %mul3A_72 = arith.constant 640 : i32
    %mul3A_73 = arith.muli %arg1, %mul3A_72 : i32
    "tpu.region"() ({
      %run_scoped3A = tpu.sem_alloc : memref<!tpu.dma_semaphore, #tpu.memory_space<semaphore_mem>>
      %dma_start3A_74 = arith.constant 0 : i32
      %dma_start3A_75 = tpu.memref_slice %arg4[%add3A_71, %dma_start3A_74] : memref<20480x128xf32, #tpu.memory_space<hbm>> -> memref<640x128xf32, #tpu.memory_space<hbm>>
      %dma_start3A_76 = arith.constant 0 : i32
      %dma_start3A_77 = tpu.memref_slice %arg12[%mul3A_73, %dma_start3A_76] : memref<10240x128xf32, #tpu.memory_space<vmem_shared>> -> memref<640x128xf32, #tpu.memory_space<vmem_shared>>
      tpu.enqueue_dma source(%dma_start3A_77 : memref<640x128xf32, #tpu.memory_space<vmem_shared>>) target(%dma_start3A_75 : memref<640x128xf32, #tpu.memory_space<hbm>>) target_semaphore(%run_scoped3A : memref<!tpu.dma_semaphore, #tpu.memory_space<semaphore_mem>>)
      %dma_wait3A = arith.constant 0 : i32
      %dma_wait3A_78 = tpu.memref_slice %arg4[%add3A_71, %dma_wait3A] : memref<20480x128xf32, #tpu.memory_space<hbm>> -> memref<640x128xf32, #tpu.memory_space<hbm>>
      %dma_wait3A_79 = arith.constant 0 : i32
      %dma_wait3A_80 = tpu.memref_slice %arg12[%mul3A_73, %dma_wait3A_79] : memref<10240x128xf32, #tpu.memory_space<vmem_shared>> -> memref<640x128xf32, #tpu.memory_space<vmem_shared>>
      tpu.wait_dma2 semaphore(%run_scoped3A : memref<!tpu.dma_semaphore, #tpu.memory_space<semaphore_mem>>) src(%dma_wait3A_80 : memref<640x128xf32, #tpu.memory_space<vmem_shared>>) dst(%dma_wait3A_78 : memref<640x128xf32, #tpu.memory_space<hbm>>)
      tpu.yield
    }) : () -> ()
    return
  }
}

module attributes {stable_mosaic.version = 14 : i64} {
  func.func @body(%arg0: i32, %arg1: memref<2x1280x128xf32, #tpu.memory_space<vmem>>, %arg2: memref<1280x128xf32, #tpu.memory_space<vmem>>, %arg3: memref<128x128xf32, #tpu.memory_space<vmem>>, %arg4: memref<128x128xf32, #tpu.memory_space<vmem>>, %arg5: memref<1x128xf32, #tpu.memory_space<vmem>>, %arg6: memref<1280x128xf32, #tpu.memory_space<vmem>>) attributes {dimension_semantics = [#tpu.dimension_semantics<arbitrary>], iteration_bounds = array<i64: 8>, scalar_prefetch = 0 : i64, scratch_operands = 0 : i64, tpu.core_type = #tpu.core_type<tc>, window_params = [{transform_indices = @transform_0, window_bounds = array<i64: 2, 1280, 128>}, {transform_indices = @transform_1, window_bounds = array<i64: 1280, 128>}, {pipeline_mode = #tpu.pipeline_mode<synchronous>, transform_indices = @transform_2, window_bounds = array<i64: 128, 128>}, {pipeline_mode = #tpu.pipeline_mode<synchronous>, transform_indices = @transform_3, window_bounds = array<i64: 128, 128>}, {pipeline_mode = #tpu.pipeline_mode<synchronous>, transform_indices = @transform_4, window_bounds = array<i64: 1, 128>}, {transform_indices = @transform_5, window_bounds = array<i64: 1280, 128>}]} {
    %get3A = arith.constant 0 : index
    %get3A_0 = arith.constant 0 : index
    %get3A_1 = arith.constant 0 : index
    %get3A_2 = vector.load %arg1[%get3A, %get3A_0, %get3A_1] : memref<2x1280x128xf32, #tpu.memory_space<vmem>>, vector<1x1280x128xf32>
    %get3A_3 = vector.shape_cast %get3A_2 : vector<1x1280x128xf32> to vector<1280x128xf32>
    %get3A_4 = arith.constant 1 : index
    %get3A_5 = arith.constant 0 : index
    %get3A_6 = arith.constant 0 : index
    %get3A_7 = vector.load %arg1[%get3A_4, %get3A_5, %get3A_6] : memref<2x1280x128xf32, #tpu.memory_space<vmem>>, vector<1x1280x128xf32>
    %get3A_8 = vector.shape_cast %get3A_7 : vector<1x1280x128xf32> to vector<1280x128xf32>
    %add3A = arith.addf %get3A_3, %get3A_8 : vector<1280x128xf32>
    %get3A_9 = arith.constant 0 : index
    %get3A_10 = arith.constant 0 : index
    %get3A_11 = vector.load %arg3[%get3A_9, %get3A_10] : memref<128x128xf32, #tpu.memory_space<vmem>>, vector<128x128xf32>
    %dot_general3A = arith.constant dense<0.000000e+00> : vector<1280x128xf32>
    %dot_general3A_12 = tpu.matmul %add3A, %get3A_11, %dot_general3A {dimension_numbers = #tpu.dot_dimension_numbers<[1], [0], [0], [1], [0, 0, 1, 1], [], []>, transpose_lhs_hint = false} : vector<1280x128xf32>, vector<128x128xf32>, vector<1280x128xf32> -> vector<1280x128xf32>
    %get3A_13 = arith.constant 0 : index
    %get3A_14 = arith.constant 0 : index
    %get3A_15 = vector.load %arg5[%get3A_13, %get3A_14] : memref<1x128xf32, #tpu.memory_space<vmem>>, vector<1x128xf32>
    %add3A_16 = vector.broadcast %get3A_15 : vector<1x128xf32> to vector<1280x128xf32>
    %add3A_17 = arith.addf %dot_general3A_12, %add3A_16 : vector<1280x128xf32>
    %mul3A = arith.constant 1280 : i32
    %mul3A_18 = arith.muli %arg0, %mul3A : i32
    %iota3A = tpu.iota {dimensions = array<i32: 0>} : vector<1280x1xi32>
    %add3A_19 = vector.broadcast %mul3A_18 : i32 to vector<1280x1xi32>
    %add3A_20 = arith.addi %add3A_19, %iota3A : vector<1280x1xi32>
    %get3A_21 = arith.constant 0 : index
    %get3A_22 = arith.constant 0 : index
    %get3A_23 = vector.load %arg2[%get3A_21, %get3A_22] : memref<1280x128xf32, #tpu.memory_space<vmem>>, vector<1280x128xf32>
    %get3A_24 = arith.constant 0 : index
    %get3A_25 = arith.constant 0 : index
    %get3A_26 = vector.load %arg4[%get3A_24, %get3A_25] : memref<128x128xf32, #tpu.memory_space<vmem>>, vector<128x128xf32>
    %dot_general3A_27 = arith.constant dense<0.000000e+00> : vector<1280x128xf32>
    %dot_general3A_28 = tpu.matmul %get3A_23, %get3A_26, %dot_general3A_27 {dimension_numbers = #tpu.dot_dimension_numbers<[1], [0], [0], [1], [0, 0, 1, 1], [], []>, transpose_lhs_hint = false} : vector<1280x128xf32>, vector<128x128xf32>, vector<1280x128xf32> -> vector<1280x128xf32>
    %add3A_29 = arith.addf %add3A_17, %dot_general3A_28 : vector<1280x128xf32>
    %max3A = arith.constant 0.000000e+00 : f32
    %max3A_30 = vector.broadcast %max3A : f32 to vector<1280x128xf32>
    %max3A_31 = arith.maximumf %add3A_29, %max3A_30 : vector<1280x128xf32>
    %lt3A = arith.constant 10000 : i32
    %lt3A_32 = vector.broadcast %lt3A : i32 to vector<1280x1xi32>
    %lt3A_33 = arith.cmpi slt, %add3A_20, %lt3A_32 : vector<1280x1xi32>
    %jit3A = arith.constant 0.000000e+00 : f32
    %broadcast_in_dim3A = vector.shape_cast %lt3A_33 : vector<1280x1xi1> to vector<1280x1xi1>
    %broadcast_in_dim3A_34 = vector.broadcast %broadcast_in_dim3A : vector<1280x1xi1> to vector<1280x128xi1>
    %broadcast_in_dim3A_35 = vector.broadcast %jit3A : f32 to vector<1280x128xf32>
    %select_n3A = arith.select %broadcast_in_dim3A_34, %max3A_31, %broadcast_in_dim3A_35 : vector<1280x128xi1>, vector<1280x128xf32>
    %swap3A = arith.constant 0 : index
    %swap3A_36 = arith.constant 0 : index
    %swap3A_37 = vector.load %arg6[%swap3A, %swap3A_36] : memref<1280x128xf32, #tpu.memory_space<vmem>>, vector<1280x128xf32>
    tpu.vector_store %arg6[%swap3A, %swap3A_36], %select_n3A {strides = array<i32>} : memref<1280x128xf32, #tpu.memory_space<vmem>>, vector<1280x128xf32>,
    return
  }
  func.func @transform_0(%arg0: i32) -> (i32, i32, i32) {
    %c0_i32 = arith.constant 0 : i32
    %c0_i32_0 = arith.constant 0 : i32
    %c0_i32_1 = arith.constant 0 : i32
    return %c0_i32, %arg0, %c0_i32_0 : i32, i32, i32
  }
  func.func @transform_1(%arg0: i32) -> (i32, i32) {
    %c0_i32 = arith.constant 0 : i32
    %c0_i32_0 = arith.constant 0 : i32
    return %arg0, %c0_i32 : i32, i32
  }
  func.func @transform_2(%arg0: i32) -> (i32, i32) {
    %c0_i32 = arith.constant 0 : i32
    %c0_i32_0 = arith.constant 0 : i32
    %c0_i32_1 = arith.constant 0 : i32
    return %c0_i32, %c0_i32_0 : i32, i32
  }
  func.func @transform_3(%arg0: i32) -> (i32, i32) {
    %c0_i32 = arith.constant 0 : i32
    %c0_i32_0 = arith.constant 0 : i32
    %c0_i32_1 = arith.constant 0 : i32
    return %c0_i32, %c0_i32_0 : i32, i32
  }
  func.func @transform_4(%arg0: i32) -> (i32, i32) {
    %c0_i32 = arith.constant 0 : i32
    %c0_i32_0 = arith.constant 0 : i32
    %c0_i32_1 = arith.constant 0 : i32
    return %c0_i32, %c0_i32_0 : i32, i32
  }
  func.func @transform_5(%arg0: i32) -> (i32, i32) {
    %c0_i32 = arith.constant 0 : i32
    %c0_i32_0 = arith.constant 0 : i32
    return %arg0, %c0_i32 : i32, i32
  }
}

module attributes {stable_mosaic.version = 14 : i64} {
  func.func @body(%arg0: i32, %arg1: memref<9xi32, #tpu.memory_space<smem>>, %arg2: memref<2x1280x128xf32, #tpu.memory_space<vmem>>, %arg3: memref<1280x128xf32, #tpu.memory_space<vmem>>, %arg4: memref<128x128xf32, #tpu.memory_space<vmem>>, %arg5: memref<128x128xf32, #tpu.memory_space<vmem>>, %arg6: memref<1x128xf32, #tpu.memory_space<vmem>>, %arg7: memref<8x128xf32, #tpu.memory_space<vmem>>) attributes {dimension_semantics = [#tpu.dimension_semantics<arbitrary>], iteration_bounds = array<i64: 8>, scalar_prefetch = 1 : i64, scratch_operands = 0 : i64, tpu.core_type = #tpu.core_type<tc>, window_params = [{transform_indices = @transform_0, window_bounds = array<i64: 2, 1280, 128>}, {transform_indices = @transform_1, window_bounds = array<i64: 1280, 128>}, {pipeline_mode = #tpu.pipeline_mode<synchronous>, transform_indices = @transform_2, window_bounds = array<i64: 128, 128>}, {pipeline_mode = #tpu.pipeline_mode<synchronous>, transform_indices = @transform_3, window_bounds = array<i64: 128, 128>}, {pipeline_mode = #tpu.pipeline_mode<synchronous>, transform_indices = @transform_4, window_bounds = array<i64: 1, 128>}, {pipeline_mode = #tpu.pipeline_mode<synchronous>, transform_indices = @transform_5, window_bounds = array<i64: 8, 128>}]} {
    %get3A = arith.constant 0 : index
    %get3A_0 = arith.constant 0 : index
    %get3A_1 = arith.constant 0 : index
    %get3A_2 = vector.load %arg2[%get3A, %get3A_0, %get3A_1] : memref<2x1280x128xf32, #tpu.memory_space<vmem>>, vector<1x1280x128xf32>
    %get3A_3 = vector.shape_cast %get3A_2 : vector<1x1280x128xf32> to vector<1280x128xf32>
    %get3A_4 = arith.constant 1 : index
    %get3A_5 = arith.constant 0 : index
    %get3A_6 = arith.constant 0 : index
    %get3A_7 = vector.load %arg2[%get3A_4, %get3A_5, %get3A_6] : memref<2x1280x128xf32, #tpu.memory_space<vmem>>, vector<1x1280x128xf32>
    %get3A_8 = vector.shape_cast %get3A_7 : vector<1x1280x128xf32> to vector<1280x128xf32>
    %add3A = arith.addf %get3A_3, %get3A_8 : vector<1280x128xf32>
    %get3A_9 = arith.constant 0 : index
    %get3A_10 = arith.constant 0 : index
    %get3A_11 = vector.load %arg4[%get3A_9, %get3A_10] : memref<128x128xf32, #tpu.memory_space<vmem>>, vector<128x128xf32>
    %dot_general3A = arith.constant dense<0.000000e+00> : vector<1280x128xf32>
    %dot_general3A_12 = tpu.matmul %add3A, %get3A_11, %dot_general3A {dimension_numbers = #tpu.dot_dimension_numbers<[1], [0], [0], [1], [0, 0, 1, 1], [], []>, transpose_lhs_hint = false} : vector<1280x128xf32>, vector<128x128xf32>, vector<1280x128xf32> -> vector<1280x128xf32>
    %get3A_13 = arith.constant 0 : index
    %get3A_14 = arith.constant 0 : index
    %get3A_15 = vector.load %arg6[%get3A_13, %get3A_14] : memref<1x128xf32, #tpu.memory_space<vmem>>, vector<1x128xf32>
    %add3A_16 = vector.broadcast %get3A_15 : vector<1x128xf32> to vector<1280x128xf32>
    %add3A_17 = arith.addf %dot_general3A_12, %add3A_16 : vector<1280x128xf32>
    %get3A_18 = arith.constant 0 : index
    %get3A_19 = arith.constant 0 : index
    %get3A_20 = vector.load %arg3[%get3A_18, %get3A_19] : memref<1280x128xf32, #tpu.memory_space<vmem>>, vector<1280x128xf32>
    %get3A_21 = arith.constant 0 : index
    %get3A_22 = arith.constant 0 : index
    %get3A_23 = vector.load %arg5[%get3A_21, %get3A_22] : memref<128x128xf32, #tpu.memory_space<vmem>>, vector<128x128xf32>
    %dot_general3A_24 = arith.constant dense<0.000000e+00> : vector<1280x128xf32>
    %dot_general3A_25 = tpu.matmul %get3A_20, %get3A_23, %dot_general3A_24 {dimension_numbers = #tpu.dot_dimension_numbers<[1], [0], [0], [1], [0, 0, 1, 1], [], []>, transpose_lhs_hint = false} : vector<1280x128xf32>, vector<128x128xf32>, vector<1280x128xf32> -> vector<1280x128xf32>
    %add3A_26 = arith.addf %add3A_17, %dot_general3A_25 : vector<1280x128xf32>
    %mul3A = arith.constant 1280 : i32
    %mul3A_27 = arith.muli %arg0, %mul3A : i32
    %iota3A = tpu.iota {dimensions = array<i32: 0>} : vector<1280x1xi32>
    %add3A_28 = vector.broadcast %mul3A_27 : i32 to vector<1280x1xi32>
    %add3A_29 = arith.addi %add3A_28, %iota3A : vector<1280x1xi32>
    %eq3A = arith.constant 0 : i32
    %eq3A_30 = arith.cmpi eq, %arg0, %eq3A : i32
    %convert_element_type3A = arith.extui %eq3A_30 : i1 to i32
    %cond3A = arith.constant 0 : i32
    %cond3A_31 = arith.cmpi ne, %convert_element_type3A, %cond3A : i32
    scf.if %cond3A_31 {
      %broadcast_in_dim3A_166 = arith.constant 0xFF800000 : f32
      %broadcast_in_dim3A_167 = vector.broadcast %broadcast_in_dim3A_166 : f32 to vector<8x128xf32>
      %swap3A_168 = arith.constant 0 : index
      %swap3A_169 = arith.constant 0 : index
      %swap3A_170 = vector.load %arg7[%swap3A_168, %swap3A_169] : memref<8x128xf32, #tpu.memory_space<vmem>>, vector<8x128xf32>
      tpu.vector_store %arg7[%swap3A_168, %swap3A_169], %broadcast_in_dim3A_167 {strides = array<i32>} : memref<8x128xf32, #tpu.memory_space<vmem>>, vector<8x128xf32>,
    } else {
    }
    %get3A_32 = arith.constant 0 : index
    %get3A_33 = memref.load %arg1[%get3A_32] : memref<9xi32, #tpu.memory_space<smem>>
    %ge3A = vector.broadcast %get3A_33 : i32 to vector<1280x1xi32>
    %ge3A_34 = arith.cmpi sge, %add3A_29, %ge3A : vector<1280x1xi32>
    %get3A_35 = arith.constant 1 : index
    %get3A_36 = memref.load %arg1[%get3A_35] : memref<9xi32, #tpu.memory_space<smem>>
    %lt3A = vector.broadcast %get3A_36 : i32 to vector<1280x1xi32>
    %lt3A_37 = arith.cmpi slt, %add3A_29, %lt3A : vector<1280x1xi32>
    %and3A = arith.andi %ge3A_34, %lt3A_37 : vector<1280x1xi1>
    %jit3A = arith.constant 0xFF800000 : f32
    %broadcast_in_dim3A = vector.shape_cast %and3A : vector<1280x1xi1> to vector<1280x1xi1>
    %broadcast_in_dim3A_38 = vector.broadcast %broadcast_in_dim3A : vector<1280x1xi1> to vector<1280x128xi1>
    %broadcast_in_dim3A_39 = vector.broadcast %jit3A : f32 to vector<1280x128xf32>
    %select_n3A = arith.select %broadcast_in_dim3A_38, %add3A_26, %broadcast_in_dim3A_39 : vector<1280x128xi1>, vector<1280x128xf32>
    %reduce_max3A = arith.constant dense<0xFF800000> : vector<128xf32>
    %reduce_max3A_40 = vector.multi_reduction <maximumf>, %select_n3A, %reduce_max3A [0] : vector<1280x128xf32> to vector<128xf32>
    %get3A_41 = arith.constant 1 : index
    %get3A_42 = memref.load %arg1[%get3A_41] : memref<9xi32, #tpu.memory_space<smem>>
    %ge3A_43 = vector.broadcast %get3A_42 : i32 to vector<1280x1xi32>
    %ge3A_44 = arith.cmpi sge, %add3A_29, %ge3A_43 : vector<1280x1xi32>
    %get3A_45 = arith.constant 2 : index
    %get3A_46 = memref.load %arg1[%get3A_45] : memref<9xi32, #tpu.memory_space<smem>>
    %lt3A_47 = vector.broadcast %get3A_46 : i32 to vector<1280x1xi32>
    %lt3A_48 = arith.cmpi slt, %add3A_29, %lt3A_47 : vector<1280x1xi32>
    %and3A_49 = arith.andi %ge3A_44, %lt3A_48 : vector<1280x1xi1>
    %jit3A_50 = arith.constant 0xFF800000 : f32
    %broadcast_in_dim3A_51 = vector.shape_cast %and3A_49 : vector<1280x1xi1> to vector<1280x1xi1>
    %broadcast_in_dim3A_52 = vector.broadcast %broadcast_in_dim3A_51 : vector<1280x1xi1> to vector<1280x128xi1>
    %broadcast_in_dim3A_53 = vector.broadcast %jit3A_50 : f32 to vector<1280x128xf32>
    %select_n3A_54 = arith.select %broadcast_in_dim3A_52, %add3A_26, %broadcast_in_dim3A_53 : vector<1280x128xi1>, vector<1280x128xf32>
    %reduce_max3A_55 = arith.constant dense<0xFF800000> : vector<128xf32>
    %reduce_max3A_56 = vector.multi_reduction <maximumf>, %select_n3A_54, %reduce_max3A_55 [0] : vector<1280x128xf32> to vector<128xf32>
    %get3A_57 = arith.constant 2 : index
    %get3A_58 = memref.load %arg1[%get3A_57] : memref<9xi32, #tpu.memory_space<smem>>
    %ge3A_59 = vector.broadcast %get3A_58 : i32 to vector<1280x1xi32>
    %ge3A_60 = arith.cmpi sge, %add3A_29, %ge3A_59 : vector<1280x1xi32>
    %get3A_61 = arith.constant 3 : index
    %get3A_62 = memref.load %arg1[%get3A_61] : memref<9xi32, #tpu.memory_space<smem>>
    %lt3A_63 = vector.broadcast %get3A_62 : i32 to vector<1280x1xi32>
    %lt3A_64 = arith.cmpi slt, %add3A_29, %lt3A_63 : vector<1280x1xi32>
    %and3A_65 = arith.andi %ge3A_60, %lt3A_64 : vector<1280x1xi1>
    %jit3A_66 = arith.constant 0xFF800000 : f32
    %broadcast_in_dim3A_67 = vector.shape_cast %and3A_65 : vector<1280x1xi1> to vector<1280x1xi1>
    %broadcast_in_dim3A_68 = vector.broadcast %broadcast_in_dim3A_67 : vector<1280x1xi1> to vector<1280x128xi1>
    %broadcast_in_dim3A_69 = vector.broadcast %jit3A_66 : f32 to vector<1280x128xf32>
    %select_n3A_70 = arith.select %broadcast_in_dim3A_68, %add3A_26, %broadcast_in_dim3A_69 : vector<1280x128xi1>, vector<1280x128xf32>
    %reduce_max3A_71 = arith.constant dense<0xFF800000> : vector<128xf32>
    %reduce_max3A_72 = vector.multi_reduction <maximumf>, %select_n3A_70, %reduce_max3A_71 [0] : vector<1280x128xf32> to vector<128xf32>
    %get3A_73 = arith.constant 3 : index
    %get3A_74 = memref.load %arg1[%get3A_73] : memref<9xi32, #tpu.memory_space<smem>>
    %ge3A_75 = vector.broadcast %get3A_74 : i32 to vector<1280x1xi32>
    %ge3A_76 = arith.cmpi sge, %add3A_29, %ge3A_75 : vector<1280x1xi32>
    %get3A_77 = arith.constant 4 : index
    %get3A_78 = memref.load %arg1[%get3A_77] : memref<9xi32, #tpu.memory_space<smem>>
    %lt3A_79 = vector.broadcast %get3A_78 : i32 to vector<1280x1xi32>
    %lt3A_80 = arith.cmpi slt, %add3A_29, %lt3A_79 : vector<1280x1xi32>
    %and3A_81 = arith.andi %ge3A_76, %lt3A_80 : vector<1280x1xi1>
    %jit3A_82 = arith.constant 0xFF800000 : f32
    %broadcast_in_dim3A_83 = vector.shape_cast %and3A_81 : vector<1280x1xi1> to vector<1280x1xi1>
    %broadcast_in_dim3A_84 = vector.broadcast %broadcast_in_dim3A_83 : vector<1280x1xi1> to vector<1280x128xi1>
    %broadcast_in_dim3A_85 = vector.broadcast %jit3A_82 : f32 to vector<1280x128xf32>
    %select_n3A_86 = arith.select %broadcast_in_dim3A_84, %add3A_26, %broadcast_in_dim3A_85 : vector<1280x128xi1>, vector<1280x128xf32>
    %reduce_max3A_87 = arith.constant dense<0xFF800000> : vector<128xf32>
    %reduce_max3A_88 = vector.multi_reduction <maximumf>, %select_n3A_86, %reduce_max3A_87 [0] : vector<1280x128xf32> to vector<128xf32>
    %get3A_89 = arith.constant 4 : index
    %get3A_90 = memref.load %arg1[%get3A_89] : memref<9xi32, #tpu.memory_space<smem>>
    %ge3A_91 = vector.broadcast %get3A_90 : i32 to vector<1280x1xi32>
    %ge3A_92 = arith.cmpi sge, %add3A_29, %ge3A_91 : vector<1280x1xi32>
    %get3A_93 = arith.constant 5 : index
    %get3A_94 = memref.load %arg1[%get3A_93] : memref<9xi32, #tpu.memory_space<smem>>
    %lt3A_95 = vector.broadcast %get3A_94 : i32 to vector<1280x1xi32>
    %lt3A_96 = arith.cmpi slt, %add3A_29, %lt3A_95 : vector<1280x1xi32>
    %and3A_97 = arith.andi %ge3A_92, %lt3A_96 : vector<1280x1xi1>
    %jit3A_98 = arith.constant 0xFF800000 : f32
    %broadcast_in_dim3A_99 = vector.shape_cast %and3A_97 : vector<1280x1xi1> to vector<1280x1xi1>
    %broadcast_in_dim3A_100 = vector.broadcast %broadcast_in_dim3A_99 : vector<1280x1xi1> to vector<1280x128xi1>
    %broadcast_in_dim3A_101 = vector.broadcast %jit3A_98 : f32 to vector<1280x128xf32>
    %select_n3A_102 = arith.select %broadcast_in_dim3A_100, %add3A_26, %broadcast_in_dim3A_101 : vector<1280x128xi1>, vector<1280x128xf32>
    %reduce_max3A_103 = arith.constant dense<0xFF800000> : vector<128xf32>
    %reduce_max3A_104 = vector.multi_reduction <maximumf>, %select_n3A_102, %reduce_max3A_103 [0] : vector<1280x128xf32> to vector<128xf32>
    %get3A_105 = arith.constant 5 : index
    %get3A_106 = memref.load %arg1[%get3A_105] : memref<9xi32, #tpu.memory_space<smem>>
    %ge3A_107 = vector.broadcast %get3A_106 : i32 to vector<1280x1xi32>
    %ge3A_108 = arith.cmpi sge, %add3A_29, %ge3A_107 : vector<1280x1xi32>
    %get3A_109 = arith.constant 6 : index
    %get3A_110 = memref.load %arg1[%get3A_109] : memref<9xi32, #tpu.memory_space<smem>>
    %lt3A_111 = vector.broadcast %get3A_110 : i32 to vector<1280x1xi32>
    %lt3A_112 = arith.cmpi slt, %add3A_29, %lt3A_111 : vector<1280x1xi32>
    %and3A_113 = arith.andi %ge3A_108, %lt3A_112 : vector<1280x1xi1>
    %jit3A_114 = arith.constant 0xFF800000 : f32
    %broadcast_in_dim3A_115 = vector.shape_cast %and3A_113 : vector<1280x1xi1> to vector<1280x1xi1>
    %broadcast_in_dim3A_116 = vector.broadcast %broadcast_in_dim3A_115 : vector<1280x1xi1> to vector<1280x128xi1>
    %broadcast_in_dim3A_117 = vector.broadcast %jit3A_114 : f32 to vector<1280x128xf32>
    %select_n3A_118 = arith.select %broadcast_in_dim3A_116, %add3A_26, %broadcast_in_dim3A_117 : vector<1280x128xi1>, vector<1280x128xf32>
    %reduce_max3A_119 = arith.constant dense<0xFF800000> : vector<128xf32>
    %reduce_max3A_120 = vector.multi_reduction <maximumf>, %select_n3A_118, %reduce_max3A_119 [0] : vector<1280x128xf32> to vector<128xf32>
    %get3A_121 = arith.constant 6 : index
    %get3A_122 = memref.load %arg1[%get3A_121] : memref<9xi32, #tpu.memory_space<smem>>
    %ge3A_123 = vector.broadcast %get3A_122 : i32 to vector<1280x1xi32>
    %ge3A_124 = arith.cmpi sge, %add3A_29, %ge3A_123 : vector<1280x1xi32>
    %get3A_125 = arith.constant 7 : index
    %get3A_126 = memref.load %arg1[%get3A_125] : memref<9xi32, #tpu.memory_space<smem>>
    %lt3A_127 = vector.broadcast %get3A_126 : i32 to vector<1280x1xi32>
    %lt3A_128 = arith.cmpi slt, %add3A_29, %lt3A_127 : vector<1280x1xi32>
    %and3A_129 = arith.andi %ge3A_124, %lt3A_128 : vector<1280x1xi1>
    %jit3A_130 = arith.constant 0xFF800000 : f32
    %broadcast_in_dim3A_131 = vector.shape_cast %and3A_129 : vector<1280x1xi1> to vector<1280x1xi1>
    %broadcast_in_dim3A_132 = vector.broadcast %broadcast_in_dim3A_131 : vector<1280x1xi1> to vector<1280x128xi1>
    %broadcast_in_dim3A_133 = vector.broadcast %jit3A_130 : f32 to vector<1280x128xf32>
    %select_n3A_134 = arith.select %broadcast_in_dim3A_132, %add3A_26, %broadcast_in_dim3A_133 : vector<1280x128xi1>, vector<1280x128xf32>
    %reduce_max3A_135 = arith.constant dense<0xFF800000> : vector<128xf32>
    %reduce_max3A_136 = vector.multi_reduction <maximumf>, %select_n3A_134, %reduce_max3A_135 [0] : vector<1280x128xf32> to vector<128xf32>
    %get3A_137 = arith.constant 7 : index
    %get3A_138 = memref.load %arg1[%get3A_137] : memref<9xi32, #tpu.memory_space<smem>>
    %ge3A_139 = vector.broadcast %get3A_138 : i32 to vector<1280x1xi32>
    %ge3A_140 = arith.cmpi sge, %add3A_29, %ge3A_139 : vector<1280x1xi32>
    %get3A_141 = arith.constant 8 : index
    %get3A_142 = memref.load %arg1[%get3A_141] : memref<9xi32, #tpu.memory_space<smem>>
    %lt3A_143 = vector.broadcast %get3A_142 : i32 to vector<1280x1xi32>
    %lt3A_144 = arith.cmpi slt, %add3A_29, %lt3A_143 : vector<1280x1xi32>
    %and3A_145 = arith.andi %ge3A_140, %lt3A_144 : vector<1280x1xi1>
    %jit3A_146 = arith.constant 0xFF800000 : f32
    %broadcast_in_dim3A_147 = vector.shape_cast %and3A_145 : vector<1280x1xi1> to vector<1280x1xi1>
    %broadcast_in_dim3A_148 = vector.broadcast %broadcast_in_dim3A_147 : vector<1280x1xi1> to vector<1280x128xi1>
    %broadcast_in_dim3A_149 = vector.broadcast %jit3A_146 : f32 to vector<1280x128xf32>
    %select_n3A_150 = arith.select %broadcast_in_dim3A_148, %add3A_26, %broadcast_in_dim3A_149 : vector<1280x128xi1>, vector<1280x128xf32>
    %reduce_max3A_151 = arith.constant dense<0xFF800000> : vector<128xf32>
    %reduce_max3A_152 = vector.multi_reduction <maximumf>, %select_n3A_150, %reduce_max3A_151 [0] : vector<1280x128xf32> to vector<128xf32>
    %get3A_153 = arith.constant 0 : index
    %get3A_154 = arith.constant 0 : index
    %get3A_155 = vector.load %arg7[%get3A_153, %get3A_154] : memref<8x128xf32, #tpu.memory_space<vmem>>, vector<8x128xf32>
    %stack3A = vector.shape_cast %reduce_max3A_40 : vector<128xf32> to vector<1x128xf32>
    %stack3A_156 = vector.shape_cast %reduce_max3A_56 : vector<128xf32> to vector<1x128xf32>
    %stack3A_157 = vector.shape_cast %reduce_max3A_72 : vector<128xf32> to vector<1x128xf32>
    %stack3A_158 = vector.shape_cast %reduce_max3A_88 : vector<128xf32> to vector<1x128xf32>
    %stack3A_159 = vector.shape_cast %reduce_max3A_104 : vector<128xf32> to vector<1x128xf32>
    %stack3A_160 = vector.shape_cast %reduce_max3A_120 : vector<128xf32> to vector<1x128xf32>
    %stack3A_161 = vector.shape_cast %reduce_max3A_136 : vector<128xf32> to vector<1x128xf32>
    %stack3A_162 = vector.shape_cast %reduce_max3A_152 : vector<128xf32> to vector<1x128xf32>
    %stack3A_163 = tpu.concatenate %stack3A, %stack3A_156, %stack3A_157, %stack3A_158, %stack3A_159, %stack3A_160, %stack3A_161, %stack3A_162 in 0 : vector<1x128xf32>, vector<1x128xf32>, vector<1x128xf32>, vector<1x128xf32>, vector<1x128xf32>, vector<1x128xf32>, vector<1x128xf32>, vector<1x128xf32> -> vector<8x128xf32>
    %max3A = arith.maximumf %get3A_155, %stack3A_163 : vector<8x128xf32>
    %swap3A = arith.constant 0 : index
    %swap3A_164 = arith.constant 0 : index
    %swap3A_165 = vector.load %arg7[%swap3A, %swap3A_164] : memref<8x128xf32, #tpu.memory_space<vmem>>, vector<8x128xf32>
    tpu.vector_store %arg7[%swap3A, %swap3A_164], %max3A {strides = array<i32>} : memref<8x128xf32, #tpu.memory_space<vmem>>, vector<8x128xf32>,
    return
  }
  func.func @transform_0(%arg0: i32, %arg1: memref<9xi32, #tpu.memory_space<smem>>) -> (i32, i32, i32) {
    %c0_i32 = arith.constant 0 : i32
    %c0_i32_0 = arith.constant 0 : i32
    %c0_i32_1 = arith.constant 0 : i32
    return %c0_i32, %arg0, %c0_i32_0 : i32, i32, i32
  }
  func.func @transform_1(%arg0: i32, %arg1: memref<9xi32, #tpu.memory_space<smem>>) -> (i32, i32) {
    %c0_i32 = arith.constant 0 : i32
    %c0_i32_0 = arith.constant 0 : i32
    return %arg0, %c0_i32 : i32, i32
  }
  func.func @transform_2(%arg0: i32, %arg1: memref<9xi32, #tpu.memory_space<smem>>) -> (i32, i32) {
    %c0_i32 = arith.constant 0 : i32
    %c0_i32_0 = arith.constant 0 : i32
    %c0_i32_1 = arith.constant 0 : i32
    return %c0_i32, %c0_i32_0 : i32, i32
  }
  func.func @transform_3(%arg0: i32, %arg1: memref<9xi32, #tpu.memory_space<smem>>) -> (i32, i32) {
    %c0_i32 = arith.constant 0 : i32
    %c0_i32_0 = arith.constant 0 : i32
    %c0_i32_1 = arith.constant 0 : i32
    return %c0_i32, %c0_i32_0 : i32, i32
  }
  func.func @transform_4(%arg0: i32, %arg1: memref<9xi32, #tpu.memory_space<smem>>) -> (i32, i32) {
    %c0_i32 = arith.constant 0 : i32
    %c0_i32_0 = arith.constant 0 : i32
    %c0_i32_1 = arith.constant 0 : i32
    return %c0_i32, %c0_i32_0 : i32, i32
  }
  func.func @transform_5(%arg0: i32, %arg1: memref<9xi32, #tpu.memory_space<smem>>) -> (i32, i32) {
    %c0_i32 = arith.constant 0 : i32
    %c0_i32_0 = arith.constant 0 : i32
    %c0_i32_1 = arith.constant 0 : i32
    return %c0_i32, %c0_i32_0 : i32, i32
  }
}

</mosaic_0001>

<sc_bundles>
// kernel: kernel.6.cloned.1.call-start
scs
__scs_entry_jumppad:
0x0: {  	(pc) =	sbr.rel $0x88, $3  }
0x1: {  	(tag) =	ssettag $0x0;
	lr =	simm.s32 $0x1  }
0x2: {  	[smem:$0x3F98] =	sst lr;
	_ =	strace $0xD0000000  }
0x3: {  	_ = 	snop  }
0x4: {  	_ = 	snop  }
0x5: {  	_ = 	snop  }
0x6: {  	_ = 	snop  }
0x7: {  	_ = 	snop  }
__scs_overlays_trampoline_lowered:
0x8: {  	[smem:$0x3FA7] =	sst s0  }
0x9: {  	[smem:$0x3FA8] =	sst s1  }
0xa: {  	[smem:$0x3FA9] =	sst s2  }
0xb: {  	[smem:$0x3FAA] =	sst s3  }
0xc: {  	[smem:$0x3FAB] =	sst s4  }
0xd: {  	[smem:$0x3FAC] =	sst s5  }
0xe: {  	[smem:$0x3FAD] =	sst s6  }
0xf: {  	[smem:$0x3FAE] =	sst s7  }
0x10: {  	[smem:$0x3FAF] =	sst s8  }
0x11: {  	[smem:$0x3FB0] =	sst s9;
	s0 =	simm.s32 @!p0 $0x0  }
0x12: {  	s1 =	sld [smem:$0x3F96];
	s0 =	simm.s32 @p0 $0x1  }
0x13: {  	[smem:$0x3FB1] =	sst s0;
	s0 =	simm.s32 @!p1 $0x0  }
0x14: {  	s2 =	sld [smem:$0x3F95];
	s0 =	simm.s32 @p1 $0x1  }
0x15: {  	[smem:$0x3FB2] =	sst s0;
	s0 =	simm.s32 @!p2 $0x0  }
0x16: {  	s3 =	sld [smem:$0x3FDB];
	s0 =	simm.s32 @p2 $0x1  }
0x17: {  	s4 =	simm.s32 $0x1BF5;
	[smem:$0x3FB4] =	sst s0  }
0x18: {  	s0 =	sld [smem:$0x3F97];
	_ =	swait.ge [sflag:s4], $0x0  }
0x19: {  	s7 =	sld [smem:$0x3F98]  }
0x1a: {  	s8 =	sadd.s32 $0xFFFFE003, lr  }
0x1b: {  	s9 =	sadd.s32 $0xFFFFFEF7, lr;
	s5 =	simm.s32 $0xFFFFFFFF;
	p2 =	slt.u32 s8, $0xFFFFF086  }
0x1c: {  	p1 =	slt.u32 s9, $0xF7A;
	s5 =	simm.s32 @!p2 $0x0  }
0x1d: {  	s5 =	simm.s32 @p1 $0x1;
	p0 =	seq.s32 s7, s2  }
0x1e: {  	s7 =	smul.u32 @!p0 $0xF7A, s2;
	p2 =	seq.s32 @!p0 s5, $0x0  }
0x1f: {  	s9 =	smul.u32 $0xF7A, s1;
	s8 =	simm.s32 @!p0 $0x1BF5;
	p2 =	por !p2, p0  }
0x20: {  	[sflag:s8] =	ssyncset.s32 @!p0 $0xFFFFF086;
	s6 =	sadd.s32 @!p0 s3, s7;
	s7 =	simm.s32 @!p0 $0x108  }
0x21: {  	s3 =	sadd.s32 s3, s9;
	s6 =	sadd.s32 @!p0 $0x88, s6;
	s7 =	simm.s32 @p2 $0x1082  }
0x22: {  	[simem:s7], [sflag:s8] =	dma.local @!p0 [hbm:s6], $0xF7A  }
0x23: {  	s9 =	sor.u32 $0xD0000000, s2;
	s6 =	simm.s32 $0x108;
	_ =	swait.ge @!p0 [sflag:s8], $0x0  }
0x24: {  	s3 =	sadd.s32 $0x88, s3;
	s6 =	simm.s32 @!p1 $0x1082;
	[sflag:s4] =	ssyncset.s32 $0xFFFFF086  }
0x25: {  	[simem:s6], [sflag:s4] =	dma.local [hbm:s3], $0xF7A  }
0x26: {  	[smem:$0x3F98] =	sst s1;
	(tag) =	ssettag s2;
	_ =	strace s9  }
0x27: {  	s1 =	sld [smem:$0x3FA8]  }
0x28: {  	s2 =	sld [smem:$0x3FA9]  }
0x29: {  	s4 =	sld [smem:$0x3FAB]  }
0x2a: {  	p0 =	seq.s32 s5, $0x0;
	s5 =	sld [smem:$0x3FAC]  }
0x2b: {  	s6 =	sld [smem:$0x3FAD]  }
0x2c: {  	s7 =	sld [smem:$0x3FAE]  }
0x2d: {  	s3 =	simm.s32 $0x108;
	s8 =	sld [smem:$0x3FAF]  }
0x2e: {  	s3 =	simm.s32 @!p0 $0x1082;
	s9 =	sld [smem:$0x3FB0]  }
0x2f: {  	lr =	sadd.s32 s0, s3;
	s0 =	sld [smem:$0x3FA7]  }
0x30: {  	s3 =	sld [smem:$0x3FAA]  }
0x31: {  	[smem:$0x3FB3] =	sst s10  }
0x32: {  	s10 =	sld [smem:$0x3FB1];
	_ =	sdelay $0x3  }
0x33: {  	p0 =	seq.s32 s10, $0x1;
	s10 =	sld [smem:$0x3FB3];
	_ =	sdelay $0x3  }
0x34: {  	[smem:$0x3FB3] =	sst s10  }
0x35: {  	s10 =	sld [smem:$0x3FB2];
	_ =	sdelay $0x3  }
0x36: {  	p1 =	seq.s32 s10, $0x1;
	s10 =	sld [smem:$0x3FB3];
	_ =	sdelay $0x3  }
0x37: {  	[smem:$0x3FB3] =	sst s10  }
0x38: {  	s10 =	sld [smem:$0x3FB4]  }
0x39: {  	_ = 	snop;
	(pc) =	sbr.ind lr, $3  }
0x3a: {  	_ = 	snop  }
0x3b: {  	_ = 	snop  }
0x3c: {  	p2 =	seq.s32 s10, $0x1;
	s10 =	sld [smem:$0x3FB3]  }
0x3d: {  	_ =	shalt  }
0x3e: {  	_ =	shalt  }
0x3f: {  	_ =	shalt  }
0x40: {  	_ =	shalt  }
0x41: {  	_ =	shalt  }
0x42: {  	_ =	shalt  }
0x43: {  	_ =	shalt  }
0x44: {  	_ =	shalt  }
0x45: {  	_ =	shalt  }
0x46: {  	_ =	shalt  }
0x47: {  	_ =	shalt  }
0x48: {  	_ =	shalt  }
0x49: {  	_ =	shalt  }
0x4a: {  	_ =	shalt  }
0x4b: {  	_ =	shalt  }
0x4c: {  	_ =	shalt  }
0x4d: {  	_ =	shalt  }
0x4e: {  	_ =	shalt  }
0x4f: {  	_ =	shalt  }
0x50: {  	_ =	shalt  }
0x51: {  	_ =	shalt  }
0x52: {  	_ =	shalt  }
0x53: {  	_ =	shalt  }
0x54: {  	_ =	shalt  }
0x55: {  	_ =	shalt  }
0x56: {  	_ =	shalt  }
0x57: {  	_ =	shalt  }
0x58: {  	_ =	shalt  }
0x59: {  	_ =	shalt  }
0x5a: {  	_ =	shalt  }
0x5b: {  	_ =	shalt  }
0x5c: {  	_ =	shalt  }
0x5d: {  	_ =	shalt  }
0x5e: {  	_ =	shalt  }
0x5f: {  	_ =	shalt  }
0x60: {  	_ =	shalt  }
0x61: {  	_ =	shalt  }
0x62: {  	_ =	shalt  }
0x63: {  	_ =	shalt  }
0x64: {  	_ =	shalt  }
0x65: {  	_ =	shalt  }
0x66: {  	_ =	shalt  }
0x67: {  	_ =	shalt  }
0x68: {  	_ =	shalt  }
0x69: {  	_ =	shalt  }
0x6a: {  	_ =	shalt  }
0x6b: {  	_ =	shalt  }
0x6c: {  	_ =	shalt  }
0x6d: {  	_ =	shalt  }
0x6e: {  	_ =	shalt  }
0x6f: {  	_ =	shalt  }
0x70: {  	_ =	shalt  }
0x71: {  	_ =	shalt  }
0x72: {  	_ =	shalt  }
0x73: {  	_ =	shalt  }
0x74: {  	_ =	shalt  }
0x75: {  	_ =	shalt  }
0x76: {  	_ =	shalt  }
0x77: {  	_ =	shalt  }
0x78: {  	_ =	shalt  }
0x79: {  	_ =	shalt  }
0x7a: {  	_ =	shalt  }
0x7b: {  	_ =	shalt  }
0x7c: {  	_ =	shalt  }
0x7d: {  	_ =	shalt  }
0x7e: {  	_ =	shalt  }
0x7f: {  	_ =	shalt  }
0x80: {  	_ =	shalt  }
0x81: {  	_ =	shalt  }
0x82: {  	_ =	shalt  }
0x83: {  	_ =	shalt  }
0x84: {  	_ =	shalt  }
0x85: {  	_ =	shalt  }
0x86: {  	_ =	shalt  }
0x87: {  	_ =	shalt  }
.Lfunc_end0:
.L_simem_size_0:
called_computation_lowered:
.L_overlay_start_0:
0x88: {  	s2 =	sld [smem:$0x3FD9]  }
0x89: {  	s3 =	sld [smem:$0x3FFE];
	_ =	sdelay $0x1  }
0x8a: {  	s1 =	srdreg.scid  }
0x8b: {  	s0 =	sand.u32 $0x1, s1  }
0x8c: {  	s17 =	sshll.u32 s0, $0xA;
	s2 =	sadd.s32 s3, s2  }
0x8d: {  	s2 =	sadd.s32 s2, s17  }
0x8e: {  	[smem:$0x3FBF] =	sst s2  }
0x8f: {  	_ = 	snop  }
0x90: {  	s2 =	sld [smem:$0x3FC9];
	(tm) =	ssettm $0x1  }
0x91: {  	s18 =	sld [smem:$0x3FFB];
	_ =	sdelay $0x3  }
0x92: {  	_ =	strace s18  }
0x93: {  	s3 =	sld [smem:$0x3FFC];
	_ =	sdelay $0x3  }
0x94: {  	_ =	strace s3  }
0x95: {  	s3 =	sld [smem:$0x3FFD];
	_ =	sdelay $0x3  }
0x96: {  	_ =	strace s3  }
0x97: {  	_ =	strace $0x8FFFFFFF  }
0x98: {  	s19 =	sld [smem:$0x3FDB];
	_ =	sdelay $0x1  }
0x99: {  	s4 =	simm.s32 $_scs_section_size  }
0x9a: {  	s5 =	simm.s32 $_size__tile_overlayer_lowered;
	s6 =	simm.s32 $_tile_overlayer_lowered  }
0x9b: {  	s22 =	simm.s32 $0x1BFF;
	s21 =	sshll.u32 s6, $0x1;
	s3 =	sadd.s32 s4, s19  }
0x9c: {  	s7 =	simm.s32 $0x0;
	s20 =	sshll.u32 s5, $0x1;
	s5 =	sadd.s32 s21, s3  }
0x9d: {  	[timem:s7], [sflag:s22] =	dma.local [hbm:s5], s20  }
0x9e: {  	_ =	swait.ge [sflag:s22], s20  }
0x9f: {  	s4 =	ssub.s32 $0x0, s20;
	[sflag:s22] =	ssyncset.done $0x0  }
0xa0: {  	[sflag:s22] =	ssyncadd.s32 s4;
	_ =	sdelay $0x1  }
0xa1: {  	s23 =	simm.s32 $0x1B8B  }
0xa2: {  	_ =	swait.ge [sflag:s23], $0x1  }
0xa3: {  	[sflag:s23] =	ssyncset.done $0x0  }
0xa4: {  	s25 =	simm.s32 $0x1B8E;
	s24 =	sld [smem:$0x3FFE];
	[sflag:s23] =	ssyncadd.s32 $0xFFFFFFFF  }
0xa5: {  	s26 =	simm.s32 $execute0_lowered;
	[smem:$0x3FD2] =	sst s25  }
0xa6: {  	s5 =	sshll.u32 s26, $0x1;
	_ =	strace $0x80000046;
	[dreg:$0x1] =	wrdreg $0xFFFFFFFF  }
0xa7: {  	s28 =	simm.s32 $_size_execute0_lowered;
	s3 =	sadd.s32 s3, s5;
	[dreg:$0x0] =	wrdreg $0x0  }
0xa8: {  	s5 =	sshll.u32 s28, $0x1;
	[dreg:$0x2] =	wrdreg s3  }
0xa9: {  	[dreg:$0x3] =	wrdreg s5  }
0xaa: {  	[dreg:$0x4] =	wrdreg $0xC0  }
0xab: {  	_ =	task [dreg:s7], $0x5FFFF  }
0xac: {  	[dreg:$0x1] =	wrdreg $0xFFFFFFFF  }
0xad: {  	[dreg:$0x0] =	wrdreg $0x60  }
0xae: {  	[dreg:$0x2] =	wrdreg s2  }
0xaf: {  	[dreg:$0x3] =	wrdreg s24  }
0xb0: {  	[dreg:$0x4] =	wrdreg $0xA8000  }
0xb1: {  	[dreg:$0x5] =	wrdreg $0x9  }
0xb2: {  	_ =	task.clear_ibuf [dreg:s7], $0x6FFFF;
	_ =	strace $0x90000046  }
0xb3: {  	s29 =	simm.s32 $0x9;
	_ =	strace $0x80000048  }
0xb4: {  	_ =	swait.ge [sflag:s29], $0x1  }
0xb5: {  	[sflag:s29] =	ssyncadd.s32 $0xFFFFFFFF  }
0xb6: {  	_ =	strace $0x90000048  }
0xb7: {  	_ =	sfence  }
0xb8: {  	s30 =	sld [smem:$0x0];
	_ =	sdelay $0x2  }
0xb9: {  	s31 =	sshll.u32 s1, $0xD;
	s1 =	sshrl.u32 s1, $0x2  }
0xba: {  	s3 =	sand.u32 $0x4000, s31;
	s1 =	sadd.s32 s1, s30  }
0xbb: {  	s0 =	sor.u32 s3, s0;
	s1 =	sshll.u32 s1, $0x11  }
0xbc: {  	s0 =	sor.u32 s1, s0  }
0xbd: {  	s0 =	sadd.s32 $0x8F2B, s0  }
0xbe: {  	[sflag:s0] =	ssyncadd.remote.s32 $0x1  }
0xbf: {  	_ =	sfence.sel $0xFFFF  }
0xc0: {  	[dreg:$0x0] =	wrdreg $0xFFFFFFFF;
	(pc) =	sbr.abs _section_cstart, $3  }
0xc1: {  	[dreg:$0x1] =	wrdreg $0xFFFFFFFF  }
0xc2: {  	_ =	task.clear_ibuf [dreg:s7], $0x2FFFF;
	_ =	strace $0x9FFFFFFF  }
0xc3: {  	(tm) =	ssettm $0x7FFFFFFF  }
tec
execute0_lowered:
.L_overlay_start_1:
0x0: {  	(tag) =	ssettag $0x1  }
0x1: {  	s2 =	rddreg [dreg:$0x0]  }
0x2: {  	s0 =	srdreg.scid;
	s6 =	rddreg [dreg:$0x1]  }
0x3: {  	s3 =	rddreg [dreg:$0x2];
	s4 =	simm.s32 $0x0;
	s14 =	simm.s32 $0x2800  }
0x4: {  	s15 =	simm.s32 $0x5;
	s16 =	simm.s32 $0x1400;
	s17 =	simm.s32 $0x80  }
0x5: {  	s18 =	simm.s32 $0x6800;
	s19 =	simm.s32 $0x1;
	s20 =	simm.s32 $0x3  }
0x6: {  	s21 =	simm.s32 $0x2;
	s22 =	simm.s32 $0x4;
	s23 =	simm.s32 $0x2700  }
0x7: {  	s24 =	simm.s32 $0x2780;
	s5 =	sand.u32 $0x1, s0;
	s0 =	stileid.u32  }
0x8: {  	s25 =	simm.s32 $0x0;
	[smem:$0x7FF] =	sst s4;
	s8 =	smul.u32 $0x2800, s0  }
0x9: {  	s1 =	sshll.u32 s5, $0x4;
	s9 =	smul.u32 $0x28000, s5;
	s29 =	ssub.s32 $0x2, s5  }
0xa: {  	s10 =	smul.u32 $0x50000, s0;
	s1 =	sor.u32 s0, s1;
	s31 =	sshrl.u32 s29, $0x1  }
0xb: {  	s7 =	smul.u32 $0x5000, s1;
	s1 =	rddreg [dreg:$0x3];
	_ =	strace $0x80000047  }
0xc: {  	s28 =	sadd.s32 s8, s9;
	s30 =	sshrl.u32 s10, $0x2;
	s13 =	ssub.s32 s29, s31  }
0xd: {  	s12 =	sadd.s32 s28, s6;
	s5 =	sadd.s32 s30, s3;
	s13 =	smax.u32 s13, $0x1  }
0xe: {  	s7 =	sshrl.u32 s7, $0x3;
	s8 =	sadd.s32 $0xC000, s5;
	s9 =	sadd.s32 $0x10000, s5  }
0xf: {  	s12 =	sadd.s32 $0x16400, s12;
	s11 =	sadd.s32 s7, s6;
	s6 =	sadd.s32 $0x4000, s5  }
0x10: {  	v0 =	vimm.f32 $0.0e+00;
	s7 =	sadd.s32 $0x8000, s5;
	s10 =	sadd.s32 $0x2400, s11;
	s11 =	sadd.s32 $0x2680, s11  }
.LBB2_1:
0x11: {  	s26 =	simm.s32 $0x0;
	s28 =	simm.s32 $0x200  }
.LBB2_2:
0x12: {  	p0 =	sne.s32 s28, $0xFE00;
	[tilespmem:s26+$0x2870] =	vst v0  }
0x13: {  	[tilespmem:s26+$0x2800] =	vst v0  }
0x14: {  	[tilespmem:s26+$0x2810] =	vst v0  }
.Ltmp0:
0x15: {  	[tilespmem:s26+$0x2820] =	vst v0;
	(pc) =	sbr.rel @p0 .LBB2_2-.Ltmp0, $4  }
0x16: {  	[tilespmem:s26+$0x2830] =	vst v0  }
0x17: {  	[tilespmem:s26+$0x2840] =	vst v0  }
0x18: {  	[tilespmem:s26+$0x2850] =	vst v0  }
0x19: {  	[tilespmem:s26+$0x2860] =	vst v0;
	s26 =	sshra.s32 s28, $0x2;
	s28 =	sadd.s32 $0x200, s28  }
0x1a: {  	[tilespmem:s26+$0x2870] =	vst v0  }
0x1b: {  	[tilespmem:s26+$0x2800] =	vst v0  }
0x1c: {  	[tilespmem:s26+$0x2810] =	vst v0  }
0x1d: {  	[tilespmem:s26+$0x2820] =	vst v0  }
0x1e: {  	[tilespmem:s26+$0x2830] =	vst v0  }
0x1f: {  	[tilespmem:s26+$0x2840] =	vst v0  }
0x20: {  	[tilespmem:s26+$0x2850] =	vst v0  }
0x21: {  	[tilespmem:s26+$0x2860] =	vst v0  }
0x22: {  	[spmem:s5] =	stream.linear.scatter [tilespmem:s14], [sflag:$0x5], $0x4000, $0x38;
	[tilespmem:$0x1E800] =	vst v63  }
0x23: {  	_ =	swait.ge [sflag:s15], $0x4000  }
0x24: {  	[sflag:s15] =	ssyncset.done $0x0  }
0x25: {  	[sflag:s15] =	ssyncadd.s32 $0xFFFFC000  }
0x26: {  	[spmem:s6] =	stream.linear.scatter [tilespmem:s14], [sflag:$0x5], $0x4000, $0x38;
	[tilespmem:$0x1E800] =	vst v63  }
0x27: {  	_ =	swait.ge [sflag:s15], $0x4000  }
0x28: {  	[sflag:s15] =	ssyncset.done $0x0  }
0x29: {  	[sflag:s15] =	ssyncadd.s32 $0xFFFFC000  }
0x2a: {  	[spmem:s7] =	stream.linear.scatter [tilespmem:s14], [sflag:$0x5], $0x4000, $0x38;
	[tilespmem:$0x1E800] =	vst v63  }
0x2b: {  	_ =	swait.ge [sflag:s15], $0x4000  }
0x2c: {  	[sflag:s15] =	ssyncset.done $0x0  }
0x2d: {  	[sflag:s15] =	ssyncadd.s32 $0xFFFFC000  }
0x2e: {  	[spmem:s8] =	stream.linear.scatter [tilespmem:s14], [sflag:$0x5], $0x4000, $0x38;
	[tilespmem:$0x1E800] =	vst v63  }
0x2f: {  	_ =	swait.ge [sflag:s15], $0x4000  }
0x30: {  	[sflag:s15] =	ssyncset.done $0x0  }
0x31: {  	[sflag:s15] =	ssyncadd.s32 $0xFFFFC000  }
0x32: {  	[spmem:s9] =	stream.linear.scatter [tilespmem:s14], [sflag:$0x5], $0x4000, $0x38;
	[tilespmem:$0x1E800] =	vst v63  }
0x33: {  	_ =	swait.ge [sflag:s15], $0x4000  }
0x34: {  	[sflag:s15] =	ssyncset.done $0x0  }
0x35: {  	[sflag:s15] =	ssyncadd.s32 $0xFFFFC000  }
0x36: {  	[bflag:$0x0] =	sbarrier.arrive $0xFFFF  }
0x37: {  	[tilespmem:s4], [sflag:$0x5] =	stream.strided.gather [hbm4b:s10+s16], $0x2800, s14, s16, $0x38;
	[tilespmem:$0x1E800] =	vst v63  }
0x38: {  	_ =	swait.ge [sflag:s15], $0x2800  }
0x39: {  	[sflag:s15] =	ssyncset.done $0x0  }
0x3a: {  	[sflag:s15] =	ssyncadd.s32 $0xFFFFD800  }
0x3b: {  	[tilespmem:s14], [sflag:$0x1] =	stream.indirect.gather [hbm4b:s2+s17], $0x80, s4, s17, $0xb8;
	[tilespmem:$0x1E800] =	vst v63  }
0x3c: {  	_ = 	snop  }
0x3d: {  	[tilespmem:s18], [sflag:$0x2] =	stream.indirect.gather [hbm4b:s2+s17], $0x80, s17, s17, $0xb8;
	[tilespmem:$0x1E800] =	vst v63  }
0x3e: {  	_ =	swait.ge [sflag:s19], $0x4000  }
0x3f: {  	[sflag:s19] =	ssyncset.done $0x0  }
0x40: {  	s29 =	simm.s32 $0x1400;
	[sflag:s19] =	ssyncadd.s32 $0xFFFFC000  }
0x41: {  	[spmem:s3] =	stream.indirect.scatter.add.f32 [tilespmem:s14], [sflag:$0x3], $0x80, s29, s17, $0xb8;
	[tilespmem:$0x1E800] =	vst v63  }
0x42: {  	_ =	swait.ge [sflag:s20], $0x4000  }
0x43: {  	[sflag:s20] =	ssyncset.done $0x0  }
0x44: {  	s30 =	simm.s32 $0x100;
	[sflag:s20] =	ssyncadd.s32 $0xFFFFC000  }
0x45: {  	[tilespmem:s14], [sflag:$0x1] =	stream.indirect.gather [hbm4b:s2+s17], $0x80, s30, s17, $0xb8;
	[tilespmem:$0x1E800] =	vst v63  }
0x46: {  	_ =	swait.ge [sflag:s21], $0x4000  }
0x47: {  	[sflag:s21] =	ssyncset.done $0x0  }
0x48: {  	s31 =	simm.s32 $0x1480;
	[sflag:s21] =	ssyncadd.s32 $0xFFFFC000  }
0x49: {  	[spmem:s3] =	stream.indirect.scatter.add.f32 [tilespmem:s18], [sflag:$0x4], $0x80, s31, s17, $0xb8;
	[tilespmem:$0x1E800] =	vst v63  }
0x4a: {  	_ =	swait.ge [sflag:s22], $0x4000  }
0x4b: {  	[sflag:s22] =	ssyncset.done $0x0  }
0x4c: {  	s26 =	simm.s32 $0x800;
	s28 =	simm.s32 $0x180;
	[sflag:s22] =	ssyncadd.s32 $0xFFFFC000  }
.LBB2_4:
0x4d: {  	[tilespmem:s18], [sflag:$0x2] =	stream.indirect.gather [hbm4b:s2+s17], $0x80, s28, s17, $0xb8;
	[tilespmem:$0x1E800] =	vst v63  }
0x4e: {  	s28 =	smov.u32 s26  }
0x4f: {  	p0 =	sne.s32 s26, $0x4C00;
	s26 =	sadd.s32 $0x400, s26;
	_ =	swait.ge [sflag:s19], $0x4000  }
0x50: {  	s28 =	sshra.s32 s28, $0x2;
	[sflag:s19] =	ssyncset.done $0x0  }
0x51: {  	s29 =	sadd.s32 $0x1300, s28;
	[sflag:s19] =	ssyncadd.s32 $0xFFFFC000  }
0x52: {  	[spmem:s3] =	stream.indirect.scatter.add.f32 [tilespmem:s14], [sflag:$0x3], $0x80, s29, s17, $0xb8;
	[tilespmem:$0x1E800] =	vst v63  }
0x53: {  	_ =	swait.ge [sflag:s20], $0x4000  }
0x54: {  	[sflag:s20] =	ssyncset.done $0x0  }
0x55: {  	[sflag:s20] =	ssyncadd.s32 $0xFFFFC000  }
0x56: {  	[tilespmem:s14], [sflag:$0x1] =	stream.indirect.gather [hbm4b:s2+s17], $0x80, s28, s17, $0xb8;
	[tilespmem:$0x1E800] =	vst v63  }
0x57: {  	_ =	swait.ge [sflag:s21], $0x4000  }
0x58: {  	[sflag:s21] =	ssyncset.done $0x0  }
.Ltmp1:
0x59: {  	s29 =	sadd.s32 $0x1380, s28;
	[sflag:s21] =	ssyncadd.s32 $0xFFFFC000;
	(pc) =	sbr.rel @p0 .LBB2_4-.Ltmp1, $4  }
0x5a: {  	[spmem:s3] =	stream.indirect.scatter.add.f32 [tilespmem:s18], [sflag:$0x4], $0x80, s29, s17, $0xb8;
	[tilespmem:$0x1E800] =	vst v63  }
0x5b: {  	_ =	swait.ge [sflag:s22], $0x4000  }
0x5c: {  	[sflag:s22] =	ssyncset.done $0x0  }
0x5d: {  	s28 =	sadd.s32 $0x80, s28;
	[sflag:s22] =	ssyncadd.s32 $0xFFFFC000  }
0x5e: {  	[tilespmem:s18], [sflag:$0x2] =	stream.indirect.gather [hbm4b:s2+s17], $0x80, s28, s17, $0xb8;
	[tilespmem:$0x1E800] =	vst v63  }
0x5f: {  	_ =	swait.ge [sflag:s19], $0x4000  }
0x60: {  	[sflag:s19] =	ssyncset.done $0x0  }
0x61: {  	[sflag:s19] =	ssyncadd.s32 $0xFFFFC000  }
0x62: {  	[spmem:s3] =	stream.indirect.scatter.add.f32 [tilespmem:s14], [sflag:$0x3], $0x80, s23, s17, $0xb8;
	[tilespmem:$0x1E800] =	vst v63  }
0x63: {  	_ =	swait.ge [sflag:s20], $0x4000  }
0x64: {  	[sflag:s20] =	ssyncset.done $0x0  }
0x65: {  	[sflag:s20] =	ssyncadd.s32 $0xFFFFC000  }
0x66: {  	_ =	swait.ge [sflag:s21], $0x4000  }
0x67: {  	[sflag:s21] =	ssyncset.done $0x0  }
0x68: {  	[sflag:s21] =	ssyncadd.s32 $0xFFFFC000  }
0x69: {  	[spmem:s3] =	stream.indirect.scatter.add.f32 [tilespmem:s18], [sflag:$0x4], $0x80, s24, s17, $0xb8;
	[tilespmem:$0x1E800] =	vst v63  }
0x6a: {  	_ =	swait.ge [sflag:s22], $0x4000  }
0x6b: {  	[sflag:s22] =	ssyncset.done $0x0  }
0x6c: {  	[sflag:s22] =	ssyncadd.s32 $0xFFFFC000  }
0x6d: {  	[tilespmem:s4], [sflag:$0x5] =	stream.strided.gather [hbm4b:s11+s16], $0x2800, s14, s16, $0x38;
	[tilespmem:$0x1E800] =	vst v63  }
0x6e: {  	_ =	swait.ge [sflag:s15], $0x2800  }
0x6f: {  	[sflag:s15] =	ssyncset.done $0x0  }
0x70: {  	[sflag:s15] =	ssyncadd.s32 $0xFFFFD800  }
0x71: {  	[tilespmem:s14], [sflag:$0x1] =	stream.indirect.gather [hbm4b:s2+s17], $0x80, s4, s17, $0xb8;
	[tilespmem:$0x1E800] =	vst v63  }
0x72: {  	_ = 	snop  }
0x73: {  	[tilespmem:s18], [sflag:$0x2] =	stream.indirect.gather [hbm4b:s2+s17], $0x80, s17, s17, $0xb8;
	[tilespmem:$0x1E800] =	vst v63  }
0x74: {  	_ =	swait.ge [sflag:s19], $0x4000  }
0x75: {  	[sflag:s19] =	ssyncset.done $0x0  }
0x76: {  	s26 =	simm.s32 $0x1400;
	[sflag:s19] =	ssyncadd.s32 $0xFFFFC000  }
0x77: {  	[spmem:s3] =	stream.indirect.scatter.add.f32 [tilespmem:s14], [sflag:$0x3], $0x80, s26, s17, $0xb8;
	[tilespmem:$0x1E800] =	vst v63  }
0x78: {  	_ =	swait.ge [sflag:s20], $0x4000  }
0x79: {  	[sflag:s20] =	ssyncset.done $0x0  }
0x7a: {  	s30 =	simm.s32 $0x100;
	[sflag:s20] =	ssyncadd.s32 $0xFFFFC000  }
0x7b: {  	[tilespmem:s14], [sflag:$0x1] =	stream.indirect.gather [hbm4b:s2+s17], $0x80, s30, s17, $0xb8;
	[tilespmem:$0x1E800] =	vst v63  }
0x7c: {  	_ =	swait.ge [sflag:s21], $0x4000  }
0x7d: {  	[sflag:s21] =	ssyncset.done $0x0  }
0x7e: {  	s31 =	simm.s32 $0x1480;
	[sflag:s21] =	ssyncadd.s32 $0xFFFFC000  }
0x7f: {  	[spmem:s3] =	stream.indirect.scatter.add.f32 [tilespmem:s18], [sflag:$0x4], $0x80, s31, s17, $0xb8;
	[tilespmem:$0x1E800] =	vst v63  }
0x80: {  	_ =	swait.ge [sflag:s22], $0x4000  }
0x81: {  	[sflag:s22] =	ssyncset.done $0x0  }
0x82: {  	s28 =	simm.s32 $0x180;
	s26 =	simm.s32 $0x800;
	[sflag:s22] =	ssyncadd.s32 $0xFFFFC000  }
.LBB2_6:
0x83: {  	[tilespmem:s18], [sflag:$0x2] =	stream.indirect.gather [hbm4b:s2+s17], $0x80, s28, s17, $0xb8;
	[tilespmem:$0x1E800] =	vst v63  }
0x84: {  	s28 =	smov.u32 s26  }
0x85: {  	p0 =	sne.s32 s26, $0x4C00;
	s26 =	sadd.s32 $0x400, s26;
	_ =	swait.ge [sflag:s19], $0x4000  }
0x86: {  	s28 =	sshra.s32 s28, $0x2;
	[sflag:s19] =	ssyncset.done $0x0  }
0x87: {  	s29 =	sadd.s32 $0x1300, s28;
	[sflag:s19] =	ssyncadd.s32 $0xFFFFC000  }
0x88: {  	[spmem:s3] =	stream.indirect.scatter.add.f32 [tilespmem:s14], [sflag:$0x3], $0x80, s29, s17, $0xb8;
	[tilespmem:$0x1E800] =	vst v63  }
0x89: {  	_ =	swait.ge [sflag:s20], $0x4000  }
0x8a: {  	[sflag:s20] =	ssyncset.done $0x0  }
0x8b: {  	[sflag:s20] =	ssyncadd.s32 $0xFFFFC000  }
0x8c: {  	[tilespmem:s14], [sflag:$0x1] =	stream.indirect.gather [hbm4b:s2+s17], $0x80, s28, s17, $0xb8;
	[tilespmem:$0x1E800] =	vst v63  }
0x8d: {  	_ =	swait.ge [sflag:s21], $0x4000  }
0x8e: {  	[sflag:s21] =	ssyncset.done $0x0  }
.Ltmp2:
0x8f: {  	s29 =	sadd.s32 $0x1380, s28;
	[sflag:s21] =	ssyncadd.s32 $0xFFFFC000;
	(pc) =	sbr.rel @p0 .LBB2_6-.Ltmp2, $4  }
0x90: {  	[spmem:s3] =	stream.indirect.scatter.add.f32 [tilespmem:s18], [sflag:$0x4], $0x80, s29, s17, $0xb8;
	[tilespmem:$0x1E800] =	vst v63  }
0x91: {  	_ =	swait.ge [sflag:s22], $0x4000  }
0x92: {  	[sflag:s22] =	ssyncset.done $0x0  }
0x93: {  	s28 =	sadd.s32 $0x80, s28;
	[sflag:s22] =	ssyncadd.s32 $0xFFFFC000  }
0x94: {  	[tilespmem:s18], [sflag:$0x2] =	stream.indirect.gather [hbm4b:s2+s17], $0x80, s28, s17, $0xb8;
	[tilespmem:$0x1E800] =	vst v63  }
0x95: {  	_ =	swait.ge [sflag:s19], $0x4000  }
0x96: {  	[sflag:s19] =	ssyncset.done $0x0  }
0x97: {  	[sflag:s19] =	ssyncadd.s32 $0xFFFFC000  }
0x98: {  	[spmem:s3] =	stream.indirect.scatter.add.f32 [tilespmem:s14], [sflag:$0x3], $0x80, s23, s17, $0xb8;
	[tilespmem:$0x1E800] =	vst v63  }
0x99: {  	_ =	swait.ge [sflag:s20], $0x4000  }
0x9a: {  	[sflag:s20] =	ssyncset.done $0x0  }
0x9b: {  	[sflag:s20] =	ssyncadd.s32 $0xFFFFC000  }
0x9c: {  	_ =	swait.ge [sflag:s21], $0x4000  }
0x9d: {  	[sflag:s21] =	ssyncset.done $0x0  }
0x9e: {  	[sflag:s21] =	ssyncadd.s32 $0xFFFFC000  }
0x9f: {  	[spmem:s3] =	stream.indirect.scatter.add.f32 [tilespmem:s18], [sflag:$0x4], $0x80, s24, s17, $0xb8;
	[tilespmem:$0x1E800] =	vst v63  }
0xa0: {  	_ =	swait.ge [sflag:s22], $0x4000  }
0xa1: {  	s26 =	sshll.u32 s0, $0x6;
	s25 =	sadd.s32 $0x1, s25;
	[sflag:s22] =	ssyncset.done $0x0  }
0xa2: {  	s31 =	sshrl.u32 s5, $0x3;
	p0 =	sne.s32 s25, s13;
	[sflag:s22] =	ssyncadd.s32 $0xFFFFC000  }
.Ltmp3:
0xa3: {  	s26 =	sor.u32 $0x1C05, s26;
	[bflag:$0x0] =	sbarrier.arrive $0xFFFF;
	(pc) =	sbr.rel @p0 .LBB2_1-.Ltmp3, $4  }
0xa4: {  	[hbm:s12], [sflag:s26] =	dma.local [spmem:s31], $0x2800  }
0xa5: {  	_ =	swait.ge [sflag:s15], $0x2800  }
0xa6: {  	[sflag:s15] =	ssyncset.done $0x0  }
0xa7: {  	[sflag:s15] =	ssyncadd.s32 $0xFFFFD800  }
0xa8: {  	_ =	sfence.sel $0x180000  }
0xa9: {  	[bflag:$0x0] =	sbarrier.arrive $0xFFFF  }
0xaa: {  	p0 =	sne.s32 s0, $0x0;
	_ =	strace $0x90000047  }
0xab: {  	s0 =	sadd.s32 @!p0 $0x100000, s1;
	[bflag:$0x2] =	sbarrier.arrive $0xFFFF  }
0xac: {  	[sflag:s0] =	ssyncadd.tile.s32 @!p0 $0x1;
	_ =	shalt  }
.Lfunc_end2:
_tile_overlayer_lowered:
.L_overlay_start_2:
0xad: {  	(tag) =	ssettag $0x2  }
0xae: {  	s0 =	rddreg [dreg:$0x0];
	s2 =	stileid.u32  }
0xaf: {  	s1 =	rddreg [dreg:$0x1];
	p0 =	sne.s32 s2, $0x0  }
0xb0: {  	s3 =	rddreg [dreg:$0x2];
	[bflag:$0x3] =	sbarrier.arrive $0xFFFF;
	s2 =	simm.s32 @!p0 $0x1C05  }
0xb1: {  	[timem:s3], [sflag:s2] =	dma.local @!p0 [hbm:s0], s1  }
0xb2: {  	s0 =	simm.s32 @!p0 $0x5  }
0xb3: {  	_ =	swait.ge @!p0 [sflag:s0], s1  }
0xb4: {  	s1 =	ssub.s32 @!p0 $0x0, s1;
	[sflag:s0] =	ssyncset.done @!p0 $0x0  }
0xb5: {  	[sflag:s0] =	ssyncadd.s32 @!p0 s1  }
0xb6: {  	[bflag:$0x3] =	sbarrier.arrive $0xFFFF  }
0xb7: {  	_ =	shalt  }

// kernel: kernel.9.cloned.1.call-start
scs
__scs_entry_jumppad:
0x0: {  	(pc) =	sbr.rel $0x88, $3  }
0x1: {  	(tag) =	ssettag $0x0;
	lr =	simm.s32 $0x1  }
0x2: {  	[smem:$0x3F98] =	sst lr;
	_ =	strace $0xD0000000  }
0x3: {  	_ = 	snop  }
0x4: {  	_ = 	snop  }
0x5: {  	_ = 	snop  }
0x6: {  	_ = 	snop  }
0x7: {  	_ = 	snop  }
__scs_overlays_trampoline_lowered:
0x8: {  	[smem:$0x3FA7] =	sst s0  }
0x9: {  	[smem:$0x3FA8] =	sst s1  }
0xa: {  	[smem:$0x3FA9] =	sst s2  }
0xb: {  	[smem:$0x3FAA] =	sst s3  }
0xc: {  	[smem:$0x3FAB] =	sst s4  }
0xd: {  	[smem:$0x3FAC] =	sst s5  }
0xe: {  	[smem:$0x3FAD] =	sst s6  }
0xf: {  	[smem:$0x3FAE] =	sst s7  }
0x10: {  	[smem:$0x3FAF] =	sst s8  }
0x11: {  	[smem:$0x3FB0] =	sst s9;
	s0 =	simm.s32 @!p0 $0x0  }
0x12: {  	s1 =	sld [smem:$0x3F96];
	s0 =	simm.s32 @p0 $0x1  }
0x13: {  	[smem:$0x3FB1] =	sst s0;
	s0 =	simm.s32 @!p1 $0x0  }
0x14: {  	s2 =	sld [smem:$0x3F95];
	s0 =	simm.s32 @p1 $0x1  }
0x15: {  	[smem:$0x3FB2] =	sst s0;
	s0 =	simm.s32 @!p2 $0x0  }
0x16: {  	s3 =	sld [smem:$0x3FDB];
	s0 =	simm.s32 @p2 $0x1  }
0x17: {  	s4 =	simm.s32 $0x1BF5;
	[smem:$0x3FB4] =	sst s0  }
0x18: {  	s0 =	sld [smem:$0x3F97];
	_ =	swait.ge [sflag:s4], $0x0  }
0x19: {  	s7 =	sld [smem:$0x3F98]  }
0x1a: {  	s8 =	sadd.s32 $0xFFFFE003, lr  }
0x1b: {  	s9 =	sadd.s32 $0xFFFFFEF7, lr;
	s5 =	simm.s32 $0xFFFFFFFF;
	p2 =	slt.u32 s8, $0xFFFFF086  }
0x1c: {  	p1 =	slt.u32 s9, $0xF7A;
	s5 =	simm.s32 @!p2 $0x0  }
0x1d: {  	s5 =	simm.s32 @p1 $0x1;
	p0 =	seq.s32 s7, s2  }
0x1e: {  	s7 =	smul.u32 @!p0 $0xF7A, s2;
	p2 =	seq.s32 @!p0 s5, $0x0  }
0x1f: {  	s9 =	smul.u32 $0xF7A, s1;
	s8 =	simm.s32 @!p0 $0x1BF5;
	p2 =	por !p2, p0  }
0x20: {  	[sflag:s8] =	ssyncset.s32 @!p0 $0xFFFFF086;
	s6 =	sadd.s32 @!p0 s3, s7;
	s7 =	simm.s32 @!p0 $0x108  }
0x21: {  	s3 =	sadd.s32 s3, s9;
	s6 =	sadd.s32 @!p0 $0x88, s6;
	s7 =	simm.s32 @p2 $0x1082  }
0x22: {  	[simem:s7], [sflag:s8] =	dma.local @!p0 [hbm:s6], $0xF7A  }
0x23: {  	s9 =	sor.u32 $0xD0000000, s2;
	s6 =	simm.s32 $0x108;
	_ =	swait.ge @!p0 [sflag:s8], $0x0  }
0x24: {  	s3 =	sadd.s32 $0x88, s3;
	s6 =	simm.s32 @!p1 $0x1082;
	[sflag:s4] =	ssyncset.s32 $0xFFFFF086  }
0x25: {  	[simem:s6], [sflag:s4] =	dma.local [hbm:s3], $0xF7A  }
0x26: {  	[smem:$0x3F98] =	sst s1;
	(tag) =	ssettag s2;
	_ =	strace s9  }
0x27: {  	s1 =	sld [smem:$0x3FA8]  }
0x28: {  	s2 =	sld [smem:$0x3FA9]  }
0x29: {  	s4 =	sld [smem:$0x3FAB]  }
0x2a: {  	p0 =	seq.s32 s5, $0x0;
	s5 =	sld [smem:$0x3FAC]  }
0x2b: {  	s6 =	sld [smem:$0x3FAD]  }
0x2c: {  	s7 =	sld [smem:$0x3FAE]  }
0x2d: {  	s3 =	simm.s32 $0x108;
	s8 =	sld [smem:$0x3FAF]  }
0x2e: {  	s3 =	simm.s32 @!p0 $0x1082;
	s9 =	sld [smem:$0x3FB0]  }
0x2f: {  	lr =	sadd.s32 s0, s3;
	s0 =	sld [smem:$0x3FA7]  }
0x30: {  	s3 =	sld [smem:$0x3FAA]  }
0x31: {  	[smem:$0x3FB3] =	sst s10  }
0x32: {  	s10 =	sld [smem:$0x3FB1];
	_ =	sdelay $0x3  }
0x33: {  	p0 =	seq.s32 s10, $0x1;
	s10 =	sld [smem:$0x3FB3];
	_ =	sdelay $0x3  }
0x34: {  	[smem:$0x3FB3] =	sst s10  }
0x35: {  	s10 =	sld [smem:$0x3FB2];
	_ =	sdelay $0x3  }
0x36: {  	p1 =	seq.s32 s10, $0x1;
	s10 =	sld [smem:$0x3FB3];
	_ =	sdelay $0x3  }
0x37: {  	[smem:$0x3FB3] =	sst s10  }
0x38: {  	s10 =	sld [smem:$0x3FB4]  }
0x39: {  	_ = 	snop;
	(pc) =	sbr.ind lr, $3  }
0x3a: {  	_ = 	snop  }
0x3b: {  	_ = 	snop  }
0x3c: {  	p2 =	seq.s32 s10, $0x1;
	s10 =	sld [smem:$0x3FB3]  }
0x3d: {  	_ =	shalt  }
0x3e: {  	_ =	shalt  }
0x3f: {  	_ =	shalt  }
0x40: {  	_ =	shalt  }
0x41: {  	_ =	shalt  }
0x42: {  	_ =	shalt  }
0x43: {  	_ =	shalt  }
0x44: {  	_ =	shalt  }
0x45: {  	_ =	shalt  }
0x46: {  	_ =	shalt  }
0x47: {  	_ =	shalt  }
0x48: {  	_ =	shalt  }
0x49: {  	_ =	shalt  }
0x4a: {  	_ =	shalt  }
0x4b: {  	_ =	shalt  }
0x4c: {  	_ =	shalt  }
0x4d: {  	_ =	shalt  }
0x4e: {  	_ =	shalt  }
0x4f: {  	_ =	shalt  }
0x50: {  	_ =	shalt  }
0x51: {  	_ =	shalt  }
0x52: {  	_ =	shalt  }
0x53: {  	_ =	shalt  }
0x54: {  	_ =	shalt  }
0x55: {  	_ =	shalt  }
0x56: {  	_ =	shalt  }
0x57: {  	_ =	shalt  }
0x58: {  	_ =	shalt  }
0x59: {  	_ =	shalt  }
0x5a: {  	_ =	shalt  }
0x5b: {  	_ =	shalt  }
0x5c: {  	_ =	shalt  }
0x5d: {  	_ =	shalt  }
0x5e: {  	_ =	shalt  }
0x5f: {  	_ =	shalt  }
0x60: {  	_ =	shalt  }
0x61: {  	_ =	shalt  }
0x62: {  	_ =	shalt  }
0x63: {  	_ =	shalt  }
0x64: {  	_ =	shalt  }
0x65: {  	_ =	shalt  }
0x66: {  	_ =	shalt  }
0x67: {  	_ =	shalt  }
0x68: {  	_ =	shalt  }
0x69: {  	_ =	shalt  }
0x6a: {  	_ =	shalt  }
0x6b: {  	_ =	shalt  }
0x6c: {  	_ =	shalt  }
0x6d: {  	_ =	shalt  }
0x6e: {  	_ =	shalt  }
0x6f: {  	_ =	shalt  }
0x70: {  	_ =	shalt  }
0x71: {  	_ =	shalt  }
0x72: {  	_ =	shalt  }
0x73: {  	_ =	shalt  }
0x74: {  	_ =	shalt  }
0x75: {  	_ =	shalt  }
0x76: {  	_ =	shalt  }
0x77: {  	_ =	shalt  }
0x78: {  	_ =	shalt  }
0x79: {  	_ =	shalt  }
0x7a: {  	_ =	shalt  }
0x7b: {  	_ =	shalt  }
0x7c: {  	_ =	shalt  }
0x7d: {  	_ =	shalt  }
0x7e: {  	_ =	shalt  }
0x7f: {  	_ =	shalt  }
0x80: {  	_ =	shalt  }
0x81: {  	_ =	shalt  }
0x82: {  	_ =	shalt  }
0x83: {  	_ =	shalt  }
0x84: {  	_ =	shalt  }
0x85: {  	_ =	shalt  }
0x86: {  	_ =	shalt  }
0x87: {  	_ =	shalt  }
.Lfunc_end0:
.L_simem_size_0:
called_computation.1_lowered:
.L_overlay_start_0:
0x88: {  	s2 =	sld [smem:$0x3FD9]  }
0x89: {  	s3 =	sld [smem:$0x3FFE];
	_ =	sdelay $0x1  }
0x8a: {  	s1 =	srdreg.scid  }
0x8b: {  	s0 =	sand.u32 $0x1, s1  }
0x8c: {  	s16 =	sshll.u32 s0, $0xA;
	s2 =	sadd.s32 s3, s2  }
0x8d: {  	s2 =	sadd.s32 s2, s16  }
0x8e: {  	[smem:$0x3FBF] =	sst s2  }
0x8f: {  	_ = 	snop  }
0x90: {  	(tm) =	ssettm $0x1  }
0x91: {  	s17 =	sld [smem:$0x3FFB];
	_ =	sdelay $0x3  }
0x92: {  	_ =	strace s17  }
0x93: {  	s2 =	sld [smem:$0x3FFC];
	_ =	sdelay $0x3  }
0x94: {  	_ =	strace s2  }
0x95: {  	s2 =	sld [smem:$0x3FFD];
	_ =	sdelay $0x3  }
0x96: {  	_ =	strace s2  }
0x97: {  	_ =	strace $0x8FFFFFFF  }
0x98: {  	s18 =	sld [smem:$0x3FDB];
	_ =	sdelay $0x1  }
0x99: {  	s19 =	simm.s32 $_scs_section_size  }
0x9a: {  	s4 =	simm.s32 $_size__tile_overlayer_lowered;
	s5 =	simm.s32 $_tile_overlayer_lowered  }
0x9b: {  	s22 =	simm.s32 $0x1BFF;
	s21 =	sshll.u32 s5, $0x1;
	s2 =	sadd.s32 s19, s18  }
0x9c: {  	s6 =	simm.s32 $0x0;
	s20 =	sshll.u32 s4, $0x1;
	s4 =	sadd.s32 s21, s2  }
0x9d: {  	[timem:s6], [sflag:s22] =	dma.local [hbm:s4], s20  }
0x9e: {  	_ =	swait.ge [sflag:s22], s20  }
0x9f: {  	s3 =	ssub.s32 $0x0, s20;
	[sflag:s22] =	ssyncset.done $0x0  }
0xa0: {  	[sflag:s22] =	ssyncadd.s32 s3;
	_ =	sdelay $0x1  }
0xa1: {  	s23 =	simm.s32 $0x1B8B  }
0xa2: {  	_ =	swait.ge [sflag:s23], $0x1  }
0xa3: {  	[sflag:s23] =	ssyncset.done $0x0  }
0xa4: {  	s25 =	simm.s32 $0x1B8E;
	s24 =	sld [smem:$0x3FFE];
	[sflag:s23] =	ssyncadd.s32 $0xFFFFFFFF  }
0xa5: {  	s26 =	simm.s32 $execute0_lowered;
	[smem:$0x3FD2] =	sst s25  }
0xa6: {  	s4 =	sshll.u32 s26, $0x1;
	_ =	strace $0x80000049;
	[dreg:$0x1] =	wrdreg $0xFFFFFFFF  }
0xa7: {  	s28 =	simm.s32 $_size_execute0_lowered;
	s2 =	sadd.s32 s2, s4;
	[dreg:$0x0] =	wrdreg $0x0  }
0xa8: {  	s4 =	sshll.u32 s28, $0x1;
	[dreg:$0x2] =	wrdreg s2  }
0xa9: {  	[dreg:$0x3] =	wrdreg s4  }
0xaa: {  	[dreg:$0x4] =	wrdreg $0xC0  }
0xab: {  	_ =	task [dreg:s6], $0x5FFFF  }
0xac: {  	[dreg:$0x1] =	wrdreg $0xFFFFFFFF  }
0xad: {  	[dreg:$0x0] =	wrdreg $0x60  }
0xae: {  	[dreg:$0x2] =	wrdreg s24  }
0xaf: {  	[dreg:$0x3] =	wrdreg $0xA8000  }
0xb0: {  	[dreg:$0x4] =	wrdreg $0x9  }
0xb1: {  	_ =	task.clear_ibuf [dreg:s6], $0x5FFFF;
	_ =	strace $0x90000049  }
0xb2: {  	s29 =	simm.s32 $0x9;
	_ =	strace $0x8000004B  }
0xb3: {  	_ =	swait.ge [sflag:s29], $0x1  }
0xb4: {  	[sflag:s29] =	ssyncadd.s32 $0xFFFFFFFF  }
0xb5: {  	_ =	strace $0x9000004B  }
0xb6: {  	_ =	sfence  }
0xb7: {  	s30 =	sld [smem:$0x0];
	_ =	sdelay $0x2  }
0xb8: {  	s31 =	sshll.u32 s1, $0xD;
	s1 =	sshrl.u32 s1, $0x2  }
0xb9: {  	s3 =	sand.u32 $0x4000, s31;
	s1 =	sadd.s32 s1, s30  }
0xba: {  	s0 =	sor.u32 s3, s0;
	s1 =	sshll.u32 s1, $0x11  }
0xbb: {  	s0 =	sor.u32 s1, s0  }
0xbc: {  	s0 =	sadd.s32 $0x8F2B, s0  }
0xbd: {  	[sflag:s0] =	ssyncadd.remote.s32 $0x1  }
0xbe: {  	_ =	sfence.sel $0xFFFF  }
0xbf: {  	[dreg:$0x0] =	wrdreg $0xFFFFFFFF;
	(pc) =	sbr.abs _section_cstart, $3  }
0xc0: {  	[dreg:$0x1] =	wrdreg $0xFFFFFFFF  }
0xc1: {  	_ =	task.clear_ibuf [dreg:s6], $0x2FFFF;
	_ =	strace $0x9FFFFFFF  }
0xc2: {  	(tm) =	ssettm $0x7FFFFFFF  }
0xc3: {  	_ =	shalt  }
tec
execute0_lowered:
.L_overlay_start_1:
0x0: {  	(tag) =	ssettag $0x1  }
0x1: {  	s6 =	rddreg [dreg:$0x0]  }
0x2: {  	s0 =	srdreg.scid;
	s2 =	rddreg [dreg:$0x1]  }
0x3: {  	s3 =	simm.s32 $0x0;
	s14 =	simm.s32 $0x2800;
	s15 =	simm.s32 $0x5  }
0x4: {  	s16 =	simm.s32 $0x1400;
	s17 =	simm.s32 $0x80;
	s18 =	simm.s32 $0x6800  }
0x5: {  	s19 =	simm.s32 $0x1;
	s20 =	simm.s32 $0x3;
	s21 =	simm.s32 $0x2  }
0x6: {  	s22 =	simm.s32 $0x4;
	s5 =	sand.u32 $0x1, s0;
	s0 =	stileid.u32  }
0x7: {  	s23 =	simm.s32 $0x2700;
	s24 =	simm.s32 $0x2780;
	s7 =	smul.u32 $0x2800, s0  }
0x8: {  	s25 =	simm.s32 $0x0;
	s1 =	sshll.u32 s5, $0x4;
	s8 =	smul.u32 $0x28000, s5  }
0x9: {  	s10 =	smul.u32 $0x50000, s0;
	s29 =	ssub.s32 $0x2, s5;
	s1 =	sor.u32 s0, s1  }
0xa: {  	[smem:$0x7FF] =	sst s3;
	s31 =	sshrl.u32 s29, $0x1;
	s4 =	smul.u32 $0x5000, s1  }
0xb: {  	s1 =	rddreg [dreg:$0x2];
	_ =	strace $0x8000004A;
	s7 =	sadd.s32 s7, s8  }
0xc: {  	s30 =	sshrl.u32 s10, $0x2;
	s13 =	ssub.s32 s29, s31;
	s12 =	sadd.s32 s7, s6  }
0xd: {  	s5 =	sadd.s32 s30, s2;
	s13 =	smax.u32 s13, $0x1;
	s9 =	sshrl.u32 s4, $0x3  }
0xe: {  	s4 =	sadd.s32 $0x16400, s6;
	s7 =	sadd.s32 $0x8000, s5;
	s8 =	sadd.s32 $0xC000, s5  }
0xf: {  	s12 =	sadd.s32 $0x3E400, s12;
	s11 =	sadd.s32 s9, s6;
	s6 =	sadd.s32 $0x4000, s5  }
0x10: {  	v0 =	vimm.f32 $0.0e+00;
	s9 =	sadd.s32 $0x10000, s5;
	s10 =	sadd.s32 $0x2400, s11;
	s11 =	sadd.s32 $0x2680, s11  }
.LBB2_1:
0x11: {  	s26 =	simm.s32 $0x0;
	s28 =	simm.s32 $0x200  }
.LBB2_2:
0x12: {  	p0 =	sne.s32 s28, $0xFE00;
	[tilespmem:s26+$0x2870] =	vst v0  }
0x13: {  	[tilespmem:s26+$0x2800] =	vst v0  }
0x14: {  	[tilespmem:s26+$0x2810] =	vst v0  }
.Ltmp0:
0x15: {  	[tilespmem:s26+$0x2820] =	vst v0;
	(pc) =	sbr.rel @p0 .LBB2_2-.Ltmp0, $4  }
0x16: {  	[tilespmem:s26+$0x2830] =	vst v0  }
0x17: {  	[tilespmem:s26+$0x2840] =	vst v0  }
0x18: {  	[tilespmem:s26+$0x2850] =	vst v0  }
0x19: {  	[tilespmem:s26+$0x2860] =	vst v0;
	s26 =	sshra.s32 s28, $0x2;
	s28 =	sadd.s32 $0x200, s28  }
0x1a: {  	[tilespmem:s26+$0x2870] =	vst v0  }
0x1b: {  	[tilespmem:s26+$0x2800] =	vst v0  }
0x1c: {  	[tilespmem:s26+$0x2810] =	vst v0  }
0x1d: {  	[tilespmem:s26+$0x2820] =	vst v0  }
0x1e: {  	[tilespmem:s26+$0x2830] =	vst v0  }
0x1f: {  	[tilespmem:s26+$0x2840] =	vst v0  }
0x20: {  	[tilespmem:s26+$0x2850] =	vst v0  }
0x21: {  	[tilespmem:s26+$0x2860] =	vst v0  }
0x22: {  	[spmem:s5] =	stream.linear.scatter [tilespmem:s14], [sflag:$0x5], $0x4000, $0x38;
	[tilespmem:$0x1E800] =	vst v63  }
0x23: {  	_ =	swait.ge [sflag:s15], $0x4000  }
0x24: {  	[sflag:s15] =	ssyncset.done $0x0  }
0x25: {  	[sflag:s15] =	ssyncadd.s32 $0xFFFFC000  }
0x26: {  	[spmem:s6] =	stream.linear.scatter [tilespmem:s14], [sflag:$0x5], $0x4000, $0x38;
	[tilespmem:$0x1E800] =	vst v63  }
0x27: {  	_ =	swait.ge [sflag:s15], $0x4000  }
0x28: {  	[sflag:s15] =	ssyncset.done $0x0  }
0x29: {  	[sflag:s15] =	ssyncadd.s32 $0xFFFFC000  }
0x2a: {  	[spmem:s7] =	stream.linear.scatter [tilespmem:s14], [sflag:$0x5], $0x4000, $0x38;
	[tilespmem:$0x1E800] =	vst v63  }
0x2b: {  	_ =	swait.ge [sflag:s15], $0x4000  }
0x2c: {  	[sflag:s15] =	ssyncset.done $0x0  }
0x2d: {  	[sflag:s15] =	ssyncadd.s32 $0xFFFFC000  }
0x2e: {  	[spmem:s8] =	stream.linear.scatter [tilespmem:s14], [sflag:$0x5], $0x4000, $0x38;
	[tilespmem:$0x1E800] =	vst v63  }
0x2f: {  	_ =	swait.ge [sflag:s15], $0x4000  }
0x30: {  	[sflag:s15] =	ssyncset.done $0x0  }
0x31: {  	[sflag:s15] =	ssyncadd.s32 $0xFFFFC000  }
0x32: {  	[spmem:s9] =	stream.linear.scatter [tilespmem:s14], [sflag:$0x5], $0x4000, $0x38;
	[tilespmem:$0x1E800] =	vst v63  }
0x33: {  	_ =	swait.ge [sflag:s15], $0x4000  }
0x34: {  	[sflag:s15] =	ssyncset.done $0x0  }
0x35: {  	[sflag:s15] =	ssyncadd.s32 $0xFFFFC000  }
0x36: {  	[bflag:$0x0] =	sbarrier.arrive $0xFFFF  }
0x37: {  	[tilespmem:s3], [sflag:$0x5] =	stream.strided.gather [hbm4b:s10+s16], $0x2800, s14, s16, $0x38;
	[tilespmem:$0x1E800] =	vst v63  }
0x38: {  	_ =	swait.ge [sflag:s15], $0x2800  }
0x39: {  	[sflag:s15] =	ssyncset.done $0x0  }
0x3a: {  	[sflag:s15] =	ssyncadd.s32 $0xFFFFD800  }
0x3b: {  	[tilespmem:s14], [sflag:$0x1] =	stream.indirect.gather [hbm4b:s4+s17], $0x80, s3, s17, $0xb8;
	[tilespmem:$0x1E800] =	vst v63  }
0x3c: {  	_ = 	snop  }
0x3d: {  	[tilespmem:s18], [sflag:$0x2] =	stream.indirect.gather [hbm4b:s4+s17], $0x80, s17, s17, $0xb8;
	[tilespmem:$0x1E800] =	vst v63  }
0x3e: {  	_ =	swait.ge [sflag:s19], $0x4000  }
0x3f: {  	[sflag:s19] =	ssyncset.done $0x0  }
0x40: {  	s29 =	simm.s32 $0x1400;
	[sflag:s19] =	ssyncadd.s32 $0xFFFFC000  }
0x41: {  	[spmem:s2] =	stream.indirect.scatter.add.f32 [tilespmem:s14], [sflag:$0x3], $0x80, s29, s17, $0xb8;
	[tilespmem:$0x1E800] =	vst v63  }
0x42: {  	_ =	swait.ge [sflag:s20], $0x4000  }
0x43: {  	[sflag:s20] =	ssyncset.done $0x0  }
0x44: {  	s30 =	simm.s32 $0x100;
	[sflag:s20] =	ssyncadd.s32 $0xFFFFC000  }
0x45: {  	[tilespmem:s14], [sflag:$0x1] =	stream.indirect.gather [hbm4b:s4+s17], $0x80, s30, s17, $0xb8;
	[tilespmem:$0x1E800] =	vst v63  }
0x46: {  	_ =	swait.ge [sflag:s21], $0x4000  }
0x47: {  	[sflag:s21] =	ssyncset.done $0x0  }
0x48: {  	s31 =	simm.s32 $0x1480;
	[sflag:s21] =	ssyncadd.s32 $0xFFFFC000  }
0x49: {  	[spmem:s2] =	stream.indirect.scatter.add.f32 [tilespmem:s18], [sflag:$0x4], $0x80, s31, s17, $0xb8;
	[tilespmem:$0x1E800] =	vst v63  }
0x4a: {  	_ =	swait.ge [sflag:s22], $0x4000  }
0x4b: {  	[sflag:s22] =	ssyncset.done $0x0  }
0x4c: {  	s26 =	simm.s32 $0x800;
	s28 =	simm.s32 $0x180;
	[sflag:s22] =	ssyncadd.s32 $0xFFFFC000  }
.LBB2_4:
0x4d: {  	[tilespmem:s18], [sflag:$0x2] =	stream.indirect.gather [hbm4b:s4+s17], $0x80, s28, s17, $0xb8;
	[tilespmem:$0x1E800] =	vst v63  }
0x4e: {  	s28 =	smov.u32 s26  }
0x4f: {  	p0 =	sne.s32 s26, $0x4C00;
	s26 =	sadd.s32 $0x400, s26;
	_ =	swait.ge [sflag:s19], $0x4000  }
0x50: {  	s28 =	sshra.s32 s28, $0x2;
	[sflag:s19] =	ssyncset.done $0x0  }
0x51: {  	s29 =	sadd.s32 $0x1300, s28;
	[sflag:s19] =	ssyncadd.s32 $0xFFFFC000  }
0x52: {  	[spmem:s2] =	stream.indirect.scatter.add.f32 [tilespmem:s14], [sflag:$0x3], $0x80, s29, s17, $0xb8;
	[tilespmem:$0x1E800] =	vst v63  }
0x53: {  	_ =	swait.ge [sflag:s20], $0x4000  }
0x54: {  	[sflag:s20] =	ssyncset.done $0x0  }
0x55: {  	[sflag:s20] =	ssyncadd.s32 $0xFFFFC000  }
0x56: {  	[tilespmem:s14], [sflag:$0x1] =	stream.indirect.gather [hbm4b:s4+s17], $0x80, s28, s17, $0xb8;
	[tilespmem:$0x1E800] =	vst v63  }
0x57: {  	_ =	swait.ge [sflag:s21], $0x4000  }
0x58: {  	[sflag:s21] =	ssyncset.done $0x0  }
.Ltmp1:
0x59: {  	s29 =	sadd.s32 $0x1380, s28;
	[sflag:s21] =	ssyncadd.s32 $0xFFFFC000;
	(pc) =	sbr.rel @p0 .LBB2_4-.Ltmp1, $4  }
0x5a: {  	[spmem:s2] =	stream.indirect.scatter.add.f32 [tilespmem:s18], [sflag:$0x4], $0x80, s29, s17, $0xb8;
	[tilespmem:$0x1E800] =	vst v63  }
0x5b: {  	_ =	swait.ge [sflag:s22], $0x4000  }
0x5c: {  	[sflag:s22] =	ssyncset.done $0x0  }
0x5d: {  	s28 =	sadd.s32 $0x80, s28;
	[sflag:s22] =	ssyncadd.s32 $0xFFFFC000  }
0x5e: {  	[tilespmem:s18], [sflag:$0x2] =	stream.indirect.gather [hbm4b:s4+s17], $0x80, s28, s17, $0xb8;
	[tilespmem:$0x1E800] =	vst v63  }
0x5f: {  	_ =	swait.ge [sflag:s19], $0x4000  }
0x60: {  	[sflag:s19] =	ssyncset.done $0x0  }
0x61: {  	[sflag:s19] =	ssyncadd.s32 $0xFFFFC000  }
0x62: {  	[spmem:s2] =	stream.indirect.scatter.add.f32 [tilespmem:s14], [sflag:$0x3], $0x80, s23, s17, $0xb8;
	[tilespmem:$0x1E800] =	vst v63  }
0x63: {  	_ =	swait.ge [sflag:s20], $0x4000  }
0x64: {  	[sflag:s20] =	ssyncset.done $0x0  }
0x65: {  	[sflag:s20] =	ssyncadd.s32 $0xFFFFC000  }
0x66: {  	_ =	swait.ge [sflag:s21], $0x4000  }
0x67: {  	[sflag:s21] =	ssyncset.done $0x0  }
0x68: {  	[sflag:s21] =	ssyncadd.s32 $0xFFFFC000  }
0x69: {  	[spmem:s2] =	stream.indirect.scatter.add.f32 [tilespmem:s18], [sflag:$0x4], $0x80, s24, s17, $0xb8;
	[tilespmem:$0x1E800] =	vst v63  }
0x6a: {  	_ =	swait.ge [sflag:s22], $0x4000  }
0x6b: {  	[sflag:s22] =	ssyncset.done $0x0  }
0x6c: {  	[sflag:s22] =	ssyncadd.s32 $0xFFFFC000  }
0x6d: {  	[tilespmem:s3], [sflag:$0x5] =	stream.strided.gather [hbm4b:s11+s16], $0x2800, s14, s16, $0x38;
	[tilespmem:$0x1E800] =	vst v63  }
0x6e: {  	_ =	swait.ge [sflag:s15], $0x2800  }
0x6f: {  	[sflag:s15] =	ssyncset.done $0x0  }
0x70: {  	[sflag:s15] =	ssyncadd.s32 $0xFFFFD800  }
0x71: {  	[tilespmem:s14], [sflag:$0x1] =	stream.indirect.gather [hbm4b:s4+s17], $0x80, s3, s17, $0xb8;
	[tilespmem:$0x1E800] =	vst v63  }
0x72: {  	_ = 	snop  }
0x73: {  	[tilespmem:s18], [sflag:$0x2] =	stream.indirect.gather [hbm4b:s4+s17], $0x80, s17, s17, $0xb8;
	[tilespmem:$0x1E800] =	vst v63  }
0x74: {  	_ =	swait.ge [sflag:s19], $0x4000  }
0x75: {  	[sflag:s19] =	ssyncset.done $0x0  }
0x76: {  	s26 =	simm.s32 $0x1400;
	[sflag:s19] =	ssyncadd.s32 $0xFFFFC000  }
0x77: {  	[spmem:s2] =	stream.indirect.scatter.add.f32 [tilespmem:s14], [sflag:$0x3], $0x80, s26, s17, $0xb8;
	[tilespmem:$0x1E800] =	vst v63  }
0x78: {  	_ =	swait.ge [sflag:s20], $0x4000  }
0x79: {  	[sflag:s20] =	ssyncset.done $0x0  }
0x7a: {  	s30 =	simm.s32 $0x100;
	[sflag:s20] =	ssyncadd.s32 $0xFFFFC000  }
0x7b: {  	[tilespmem:s14], [sflag:$0x1] =	stream.indirect.gather [hbm4b:s4+s17], $0x80, s30, s17, $0xb8;
	[tilespmem:$0x1E800] =	vst v63  }
0x7c: {  	_ =	swait.ge [sflag:s21], $0x4000  }
0x7d: {  	[sflag:s21] =	ssyncset.done $0x0  }
0x7e: {  	s31 =	simm.s32 $0x1480;
	[sflag:s21] =	ssyncadd.s32 $0xFFFFC000  }
0x7f: {  	[spmem:s2] =	stream.indirect.scatter.add.f32 [tilespmem:s18], [sflag:$0x4], $0x80, s31, s17, $0xb8;
	[tilespmem:$0x1E800] =	vst v63  }
0x80: {  	_ =	swait.ge [sflag:s22], $0x4000  }
0x81: {  	[sflag:s22] =	ssyncset.done $0x0  }
0x82: {  	s28 =	simm.s32 $0x180;
	s26 =	simm.s32 $0x800;
	[sflag:s22] =	ssyncadd.s32 $0xFFFFC000  }
.LBB2_6:
0x83: {  	[tilespmem:s18], [sflag:$0x2] =	stream.indirect.gather [hbm4b:s4+s17], $0x80, s28, s17, $0xb8;
	[tilespmem:$0x1E800] =	vst v63  }
0x84: {  	s28 =	smov.u32 s26  }
0x85: {  	p0 =	sne.s32 s26, $0x4C00;
	s26 =	sadd.s32 $0x400, s26;
	_ =	swait.ge [sflag:s19], $0x4000  }
0x86: {  	s28 =	sshra.s32 s28, $0x2;
	[sflag:s19] =	ssyncset.done $0x0  }
0x87: {  	s29 =	sadd.s32 $0x1300, s28;
	[sflag:s19] =	ssyncadd.s32 $0xFFFFC000  }
0x88: {  	[spmem:s2] =	stream.indirect.scatter.add.f32 [tilespmem:s14], [sflag:$0x3], $0x80, s29, s17, $0xb8;
	[tilespmem:$0x1E800] =	vst v63  }
0x89: {  	_ =	swait.ge [sflag:s20], $0x4000  }
0x8a: {  	[sflag:s20] =	ssyncset.done $0x0  }
0x8b: {  	[sflag:s20] =	ssyncadd.s32 $0xFFFFC000  }
0x8c: {  	[tilespmem:s14], [sflag:$0x1] =	stream.indirect.gather [hbm4b:s4+s17], $0x80, s28, s17, $0xb8;
	[tilespmem:$0x1E800] =	vst v63  }
0x8d: {  	_ =	swait.ge [sflag:s21], $0x4000  }
0x8e: {  	[sflag:s21] =	ssyncset.done $0x0  }
.Ltmp2:
0x8f: {  	s29 =	sadd.s32 $0x1380, s28;
	[sflag:s21] =	ssyncadd.s32 $0xFFFFC000;
	(pc) =	sbr.rel @p0 .LBB2_6-.Ltmp2, $4  }
0x90: {  	[spmem:s2] =	stream.indirect.scatter.add.f32 [tilespmem:s18], [sflag:$0x4], $0x80, s29, s17, $0xb8;
	[tilespmem:$0x1E800] =	vst v63  }
0x91: {  	_ =	swait.ge [sflag:s22], $0x4000  }
0x92: {  	[sflag:s22] =	ssyncset.done $0x0  }
0x93: {  	s28 =	sadd.s32 $0x80, s28;
	[sflag:s22] =	ssyncadd.s32 $0xFFFFC000  }
0x94: {  	[tilespmem:s18], [sflag:$0x2] =	stream.indirect.gather [hbm4b:s4+s17], $0x80, s28, s17, $0xb8;
	[tilespmem:$0x1E800] =	vst v63  }
0x95: {  	_ =	swait.ge [sflag:s19], $0x4000  }
0x96: {  	[sflag:s19] =	ssyncset.done $0x0  }
0x97: {  	[sflag:s19] =	ssyncadd.s32 $0xFFFFC000  }
0x98: {  	[spmem:s2] =	stream.indirect.scatter.add.f32 [tilespmem:s14], [sflag:$0x3], $0x80, s23, s17, $0xb8;
	[tilespmem:$0x1E800] =	vst v63  }
0x99: {  	_ =	swait.ge [sflag:s20], $0x4000  }
0x9a: {  	[sflag:s20] =	ssyncset.done $0x0  }
0x9b: {  	[sflag:s20] =	ssyncadd.s32 $0xFFFFC000  }
0x9c: {  	_ =	swait.ge [sflag:s21], $0x4000  }
0x9d: {  	[sflag:s21] =	ssyncset.done $0x0  }
0x9e: {  	[sflag:s21] =	ssyncadd.s32 $0xFFFFC000  }
0x9f: {  	[spmem:s2] =	stream.indirect.scatter.add.f32 [tilespmem:s18], [sflag:$0x4], $0x80, s24, s17, $0xb8;
	[tilespmem:$0x1E800] =	vst v63  }
0xa0: {  	_ =	swait.ge [sflag:s22], $0x4000  }
0xa1: {  	s26 =	sshll.u32 s0, $0x6;
	s25 =	sadd.s32 $0x1, s25;
	[sflag:s22] =	ssyncset.done $0x0  }
0xa2: {  	s31 =	sshrl.u32 s5, $0x3;
	p0 =	sne.s32 s25, s13;
	[sflag:s22] =	ssyncadd.s32 $0xFFFFC000  }
.Ltmp3:
0xa3: {  	s26 =	sor.u32 $0x1C05, s26;
	[bflag:$0x0] =	sbarrier.arrive $0xFFFF;
	(pc) =	sbr.rel @p0 .LBB2_1-.Ltmp3, $4  }
0xa4: {  	[hbm:s12], [sflag:s26] =	dma.local [spmem:s31], $0x2800  }
0xa5: {  	_ =	swait.ge [sflag:s15], $0x2800  }
0xa6: {  	[sflag:s15] =	ssyncset.done $0x0  }
0xa7: {  	[sflag:s15] =	ssyncadd.s32 $0xFFFFD800  }
0xa8: {  	_ =	sfence.sel $0x180000  }
0xa9: {  	[bflag:$0x0] =	sbarrier.arrive $0xFFFF  }
0xaa: {  	p0 =	sne.s32 s0, $0x0;
	_ =	strace $0x9000004A  }
0xab: {  	s0 =	sadd.s32 @!p0 $0x100000, s1;
	[bflag:$0x2] =	sbarrier.arrive $0xFFFF  }
0xac: {  	[sflag:s0] =	ssyncadd.tile.s32 @!p0 $0x1;
	_ =	shalt  }
.Lfunc_end2:
_tile_overlayer_lowered:
.L_overlay_start_2:
0xad: {  	(tag) =	ssettag $0x2  }
0xae: {  	s0 =	rddreg [dreg:$0x0];
	s2 =	stileid.u32  }
0xaf: {  	s1 =	rddreg [dreg:$0x1];
	p0 =	sne.s32 s2, $0x0  }
0xb0: {  	s3 =	rddreg [dreg:$0x2];
	[bflag:$0x3] =	sbarrier.arrive $0xFFFF;
	s2 =	simm.s32 @!p0 $0x1C05  }
0xb1: {  	[timem:s3], [sflag:s2] =	dma.local @!p0 [hbm:s0], s1  }
0xb2: {  	s0 =	simm.s32 @!p0 $0x5  }
0xb3: {  	_ =	swait.ge @!p0 [sflag:s0], s1  }
0xb4: {  	s1 =	ssub.s32 @!p0 $0x0, s1;
	[sflag:s0] =	ssyncset.done @!p0 $0x0  }
0xb5: {  	[sflag:s0] =	ssyncadd.s32 @!p0 s1  }
0xb6: {  	[bflag:$0x3] =	sbarrier.arrive $0xFFFF  }
0xb7: {  	_ =	shalt  }

</sc_bundles>
